<compile_context>
chip_gen: v7x
topology: tpu7x:2x2x1
jax: 0.10.2.dev20260603
libtpu: 0.0.44.dev20260713+nightly
codegen_flags: <defaults>
</compile_context>

<pallas_src>
import functools

import jax
import jax.numpy as jnp
from jax import lax
from jax.experimental import pallas as pl
from jax.experimental.pallas import tpu as pltpu
from jax.experimental.pallas import tpu_sc as plsc

NC = 2
NS = 16
NW = NC * NS

C = 2
NBUF = 6


def _gather_kernel(V, D, N):
    b_per_w = N // NW
    n_chunks = b_per_w // C
    mesh = plsc.VectorSubcoreMesh(core_axis_name="c", subcore_axis_name="s")

    @functools.partial(
        pl.kernel,
        out_type=jax.ShapeDtypeStruct((N, D), jnp.float32),
        mesh=mesh,
        scratch_types=[
            pltpu.VMEM((n_chunks, C), jnp.int32),
            *[pltpu.VMEM((C, D), jnp.float32) for _ in range(NBUF)],
            *[pltpu.SemaphoreType.DMA for _ in range(2 * NBUF)],
        ],
    )
    def k(w_hbm, idx_hbm, out_hbm, idx_v, *rest):
        bufs = rest[:NBUF]
        gsems = rest[NBUF:2 * NBUF]
        osems = rest[2 * NBUF:]

        wid = lax.axis_index("s") * NC + lax.axis_index("c")
        base = wid * b_per_w
        pltpu.sync_copy(idx_hbm.at[wid], idx_v)

        def gather(g, slot):
            return pltpu.make_async_copy(
                w_hbm.at[idx_v.at[g]], bufs[slot], gsems[slot]
            )

        def put(g, slot):
            return pltpu.make_async_copy(
                bufs[slot], out_hbm.at[pl.ds(base + g * C, C)], osems[slot]
            )

        for s in range(NBUF):
            gather(s, s).start()

        def body(i, _):
            g0 = i * NBUF
            for s in range(NBUF):
                g = g0 + s
                gather(g, s).wait()
                put(g, s).start()
                put(g, s).wait()

                @pl.when(g + NBUF < n_chunks)
                def _():
                    gather(g + NBUF, s).start()

            return _

        lax.fori_loop(0, n_chunks // NBUF, body, None)

        for g in range(NBUF * (n_chunks // NBUF), n_chunks):
            s = g % NBUF
            gather(g, s).wait()
            put(g, s).start()
            put(g, s).wait()

    return k


def kernel(idx, W):
    B, S = idx.shape
    V, D = W.shape
    N = B * S
    idx3 = idx.reshape(NW, N // (NW * C), C).astype(jnp.int32)
    out = _gather_kernel(V, D, N)(W, idx3)
    return out.reshape(B, S, D)

# --- scband reference (transcript-rebuilt; emitter-appended) ---
"""Pipeline reference for scband-bigram-model-34531537060196 (READ-ONLY COPY).

The authoritative reference and input builder live on the scoring server;
editing this copy changes nothing except your own understanding.
"""

import jax, jax.numpy as jnp
import numpy as np


def setup_inputs(seed: int = 0) -> dict:
    key = jax.random.key(seed)
    k1, k2 = jax.random.split(key)
    vocab_size = 8192
    idx = jax.random.randint(k1, (4, 2048), 0, vocab_size, dtype=jnp.int64) if jax.config.jax_enable_x64 else jax.random.randint(k1, (4, 2048), 0, vocab_size, dtype=jnp.int32)
    W = jax.random.normal(k2, (vocab_size, vocab_size), dtype=jnp.float32) * 0.02
    return {"idx": idx, "W": W}


def reference(idx, W):
    # BigramModel.forward with targets=None: logits = Embedding(idx), loss = None
    logits = jnp.take(W, idx, axis=0)  # [B, S, vocab]
    return logits

if __name__ == "__main__":
    import jax
    _d = setup_inputs()
    print(jax.jit(kernel)(*tuple(_d.values())))

</pallas_src>

<mosaic_0001>
#map = affine_map<(d0, d1) -> (0, 0)>
#map1 = affine_map<(d0, d1) -> (0, 0, 0)>
module attributes {stable_mosaic.version = 14 : i64} {
  func.func @k(%arg0: i32, %arg1: i32, %arg2: memref<8192x8192xf32, #tpu.memory_space<hbm>>, %arg3: memref<32x128x2xi32, #tpu.memory_space<hbm>>, %arg4: memref<8192x8192xf32, #tpu.memory_space<hbm>>, %arg5: memref<128x2xi32, #tpu.memory_space<vmem>>, %arg6: memref<2x8192xf32, #tpu.memory_space<vmem>>, %arg7: memref<2x8192xf32, #tpu.memory_space<vmem>>, %arg8: memref<2x8192xf32, #tpu.memory_space<vmem>>, %arg9: memref<2x8192xf32, #tpu.memory_space<vmem>>, %arg10: memref<2x8192xf32, #tpu.memory_space<vmem>>, %arg11: memref<2x8192xf32, #tpu.memory_space<vmem>>, %arg12: memref<!tpu.dma_semaphore, #tpu.memory_space<semaphore_mem>>, %arg13: memref<!tpu.dma_semaphore, #tpu.memory_space<semaphore_mem>>, %arg14: memref<!tpu.dma_semaphore, #tpu.memory_space<semaphore_mem>>, %arg15: memref<!tpu.dma_semaphore, #tpu.memory_space<semaphore_mem>>, %arg16: memref<!tpu.dma_semaphore, #tpu.memory_space<semaphore_mem>>, %arg17: memref<!tpu.dma_semaphore, #tpu.memory_space<semaphore_mem>>, %arg18: memref<!tpu.dma_semaphore, #tpu.memory_space<semaphore_mem>>, %arg19: memref<!tpu.dma_semaphore, #tpu.memory_space<semaphore_mem>>, %arg20: memref<!tpu.dma_semaphore, #tpu.memory_space<semaphore_mem>>, %arg21: memref<!tpu.dma_semaphore, #tpu.memory_space<semaphore_mem>>, %arg22: memref<!tpu.dma_semaphore, #tpu.memory_space<semaphore_mem>>, %arg23: memref<!tpu.dma_semaphore, #tpu.memory_space<semaphore_mem>>) attributes {dimension_semantics = [#tpu.dimension_semantics<core_parallel>, #tpu.dimension_semantics<subcore_parallel>], iteration_bounds = array<i64: 2, 16>, scalar_prefetch = 0 : i64, scratch_operands = 19 : i64, tpu.core_type = #tpu.core_type<sc_vector_subcore>, window_params = [{transform_indices = #map}, {transform_indices = #map1}, {transform_indices = #map}]} {
    %mul3A = arith.constant 2 : i32
    %mul3A_0 = arith.muli %arg1, %mul3A : i32
    %add3A = arith.addi %mul3A_0, %arg0 : i32
    %mul3A_1 = arith.constant 256 : i32
    %mul3A_2 = arith.muli %add3A, %mul3A_1 : i32
    "tpu.region"() ({
      %run_scoped3A = tpu.sem_alloc : memref<!tpu.dma_semaphore, #tpu.memory_space<semaphore_mem>>
      %dma_start3A_85 = arith.constant 0 : i32
      %dma_start3A_86 = arith.constant 0 : i32
      %dma_start3A_87 = tpu.memref_slice %arg3[%add3A, %dma_start3A_85, %dma_start3A_86] : memref<32x128x2xi32, #tpu.memory_space<hbm>> -> memref<1x128x2xi32, #tpu.memory_space<hbm>>
      %dma_start3A_88 = tpu.memref_squeeze %dma_start3A_87 : memref<1x128x2xi32, #tpu.memory_space<hbm>> -> memref<128x2xi32, #tpu.memory_space<hbm>>
      %dma_start3A_89 = arith.constant 0 : i32
      %dma_start3A_90 = arith.constant 0 : i32
      %dma_start3A_91 = tpu.memref_slice %arg3[%add3A, %dma_start3A_89, %dma_start3A_90] : memref<32x128x2xi32, #tpu.memory_space<hbm>> -> memref<1x128x2xi32, #tpu.memory_space<hbm>>
      %dma_start3A_92 = tpu.memref_squeeze %dma_start3A_91 : memref<1x128x2xi32, #tpu.memory_space<hbm>> -> memref<128x2xi32, #tpu.memory_space<hbm>>
      tpu.enqueue_dma source(%dma_start3A_92 : memref<128x2xi32, #tpu.memory_space<hbm>>) target(%arg5 : memref<128x2xi32, #tpu.memory_space<vmem>>) target_semaphore(%run_scoped3A : memref<!tpu.dma_semaphore, #tpu.memory_space<semaphore_mem>>)
      %dma_wait3A_93 = arith.constant 0 : i32
      %dma_wait3A_94 = arith.constant 0 : i32
      %dma_wait3A_95 = tpu.memref_slice %arg3[%add3A, %dma_wait3A_93, %dma_wait3A_94] : memref<32x128x2xi32, #tpu.memory_space<hbm>> -> memref<1x128x2xi32, #tpu.memory_space<hbm>>
      %dma_wait3A_96 = tpu.memref_squeeze %dma_wait3A_95 : memref<1x128x2xi32, #tpu.memory_space<hbm>> -> memref<128x2xi32, #tpu.memory_space<hbm>>
      %dma_wait3A_97 = arith.constant 0 : i32
      %dma_wait3A_98 = arith.constant 0 : i32
      %dma_wait3A_99 = tpu.memref_slice %arg3[%add3A, %dma_wait3A_97, %dma_wait3A_98] : memref<32x128x2xi32, #tpu.memory_space<hbm>> -> memref<1x128x2xi32, #tpu.memory_space<hbm>>
      %dma_wait3A_100 = tpu.memref_squeeze %dma_wait3A_99 : memref<1x128x2xi32, #tpu.memory_space<hbm>> -> memref<128x2xi32, #tpu.memory_space<hbm>>
      tpu.wait_dma2 semaphore(%run_scoped3A : memref<!tpu.dma_semaphore, #tpu.memory_space<semaphore_mem>>) src(%dma_wait3A_100 : memref<128x2xi32, #tpu.memory_space<hbm>>) dst(%arg5 : memref<128x2xi32, #tpu.memory_space<vmem>>)
      tpu.yield
    }) : () -> ()
    %dma_start3A = arith.constant 0 : i32
    %dma_start3A_3 = arith.constant 0 : i32
    %dma_start3A_4 = tpu.memref_slice %arg5[%dma_start3A, %dma_start3A_3] : memref<128x2xi32, #tpu.memory_space<vmem>> -> memref<1x2xi32, #tpu.memory_space<vmem>>
    %dma_start3A_5 = tpu.memref_squeeze %dma_start3A_4 : memref<1x2xi32, #tpu.memory_space<vmem>> -> memref<2xi32, #tpu.memory_space<vmem>>
    %dma_start3A_6 = arith.constant 0 : i32
    %dma_start3A_7 = arith.constant 0 : i32
    %dma_start3A_8 = tpu.memref_slice %arg2[%dma_start3A_6, %dma_start3A_7] : memref<8192x8192xf32, #tpu.memory_space<hbm>> -> memref<8192x8192xf32, #tpu.memory_space<hbm>>
    tpu.enqueue_indirect_dma source(%dma_start3A_8 : memref<8192x8192xf32, #tpu.memory_space<hbm>>) target(%arg6 : memref<2x8192xf32, #tpu.memory_space<vmem>>) offsets(%dma_start3A_5 : memref<2xi32, #tpu.memory_space<vmem>>) semaphore(%arg12 : memref<!tpu.dma_semaphore, #tpu.memory_space<semaphore_mem>>)
    %dma_start3A_9 = arith.constant 1 : i32
    %dma_start3A_10 = arith.constant 0 : i32
    %dma_start3A_11 = tpu.memref_slice %arg5[%dma_start3A_9, %dma_start3A_10] : memref<128x2xi32, #tpu.memory_space<vmem>> -> memref<1x2xi32, #tpu.memory_space<vmem>>
    %dma_start3A_12 = tpu.memref_squeeze %dma_start3A_11 : memref<1x2xi32, #tpu.memory_space<vmem>> -> memref<2xi32, #tpu.memory_space<vmem>>
    %dma_start3A_13 = arith.constant 0 : i32
    %dma_start3A_14 = arith.constant 0 : i32
    %dma_start3A_15 = tpu.memref_slice %arg2[%dma_start3A_13, %dma_start3A_14] : memref<8192x8192xf32, #tpu.memory_space<hbm>> -> memref<8192x8192xf32, #tpu.memory_space<hbm>>
    tpu.enqueue_indirect_dma source(%dma_start3A_15 : memref<8192x8192xf32, #tpu.memory_space<hbm>>) target(%arg7 : memref<2x8192xf32, #tpu.memory_space<vmem>>) offsets(%dma_start3A_12 : memref<2xi32, #tpu.memory_space<vmem>>) semaphore(%arg13 : memref<!tpu.dma_semaphore, #tpu.memory_space<semaphore_mem>>)
    %dma_start3A_16 = arith.constant 2 : i32
    %dma_start3A_17 = arith.constant 0 : i32
    %dma_start3A_18 = tpu.memref_slice %arg5[%dma_start3A_16, %dma_start3A_17] : memref<128x2xi32, #tpu.memory_space<vmem>> -> memref<1x2xi32, #tpu.memory_space<vmem>>
    %dma_start3A_19 = tpu.memref_squeeze %dma_start3A_18 : memref<1x2xi32, #tpu.memory_space<vmem>> -> memref<2xi32, #tpu.memory_space<vmem>>
    %dma_start3A_20 = arith.constant 0 : i32
    %dma_start3A_21 = arith.constant 0 : i32
    %dma_start3A_22 = tpu.memref_slice %arg2[%dma_start3A_20, %dma_start3A_21] : memref<8192x8192xf32, #tpu.memory_space<hbm>> -> memref<8192x8192xf32, #tpu.memory_space<hbm>>
    tpu.enqueue_indirect_dma source(%dma_start3A_22 : memref<8192x8192xf32, #tpu.memory_space<hbm>>) target(%arg8 : memref<2x8192xf32, #tpu.memory_space<vmem>>) offsets(%dma_start3A_19 : memref<2xi32, #tpu.memory_space<vmem>>) semaphore(%arg14 : memref<!tpu.dma_semaphore, #tpu.memory_space<semaphore_mem>>)
    %dma_start3A_23 = arith.constant 3 : i32
    %dma_start3A_24 = arith.constant 0 : i32
    %dma_start3A_25 = tpu.memref_slice %arg5[%dma_start3A_23, %dma_start3A_24] : memref<128x2xi32, #tpu.memory_space<vmem>> -> memref<1x2xi32, #tpu.memory_space<vmem>>
    %dma_start3A_26 = tpu.memref_squeeze %dma_start3A_25 : memref<1x2xi32, #tpu.memory_space<vmem>> -> memref<2xi32, #tpu.memory_space<vmem>>
    %dma_start3A_27 = arith.constant 0 : i32
    %dma_start3A_28 = arith.constant 0 : i32
    %dma_start3A_29 = tpu.memref_slice %arg2[%dma_start3A_27, %dma_start3A_28] : memref<8192x8192xf32, #tpu.memory_space<hbm>> -> memref<8192x8192xf32, #tpu.memory_space<hbm>>
    tpu.enqueue_indirect_dma source(%dma_start3A_29 : memref<8192x8192xf32, #tpu.memory_space<hbm>>) target(%arg9 : memref<2x8192xf32, #tpu.memory_space<vmem>>) offsets(%dma_start3A_26 : memref<2xi32, #tpu.memory_space<vmem>>) semaphore(%arg15 : memref<!tpu.dma_semaphore, #tpu.memory_space<semaphore_mem>>)
    %dma_start3A_30 = arith.constant 4 : i32
    %dma_start3A_31 = arith.constant 0 : i32
    %dma_start3A_32 = tpu.memref_slice %arg5[%dma_start3A_30, %dma_start3A_31] : memref<128x2xi32, #tpu.memory_space<vmem>> -> memref<1x2xi32, #tpu.memory_space<vmem>>
    %dma_start3A_33 = tpu.memref_squeeze %dma_start3A_32 : memref<1x2xi32, #tpu.memory_space<vmem>> -> memref<2xi32, #tpu.memory_space<vmem>>
    %dma_start3A_34 = arith.constant 0 : i32
    %dma_start3A_35 = arith.constant 0 : i32
    %dma_start3A_36 = tpu.memref_slice %arg2[%dma_start3A_34, %dma_start3A_35] : memref<8192x8192xf32, #tpu.memory_space<hbm>> -> memref<8192x8192xf32, #tpu.memory_space<hbm>>
    tpu.enqueue_indirect_dma source(%dma_start3A_36 : memref<8192x8192xf32, #tpu.memory_space<hbm>>) target(%arg10 : memref<2x8192xf32, #tpu.memory_space<vmem>>) offsets(%dma_start3A_33 : memref<2xi32, #tpu.memory_space<vmem>>) semaphore(%arg16 : memref<!tpu.dma_semaphore, #tpu.memory_space<semaphore_mem>>)
    %dma_start3A_37 = arith.constant 5 : i32
    %dma_start3A_38 = arith.constant 0 : i32
    %dma_start3A_39 = tpu.memref_slice %arg5[%dma_start3A_37, %dma_start3A_38] : memref<128x2xi32, #tpu.memory_space<vmem>> -> memref<1x2xi32, #tpu.memory_space<vmem>>
    %dma_start3A_40 = tpu.memref_squeeze %dma_start3A_39 : memref<1x2xi32, #tpu.memory_space<vmem>> -> memref<2xi32, #tpu.memory_space<vmem>>
    %dma_start3A_41 = arith.constant 0 : i32
    %dma_start3A_42 = arith.constant 0 : i32
    %dma_start3A_43 = tpu.memref_slice %arg2[%dma_start3A_41, %dma_start3A_42] : memref<8192x8192xf32, #tpu.memory_space<hbm>> -> memref<8192x8192xf32, #tpu.memory_space<hbm>>
    tpu.enqueue_indirect_dma source(%dma_start3A_43 : memref<8192x8192xf32, #tpu.memory_space<hbm>>) target(%arg11 : memref<2x8192xf32, #tpu.memory_space<vmem>>) offsets(%dma_start3A_40 : memref<2xi32, #tpu.memory_space<vmem>>) semaphore(%arg17 : memref<!tpu.dma_semaphore, #tpu.memory_space<semaphore_mem>>)
    %scan3A = arith.constant 0 : i32
    %scan3A_44 = arith.constant 21 : i32
    %scan3A_45 = arith.addi %scan3A, %scan3A_44 : i32
    %scan3A_46 = arith.constant 1 : i32
    scf.for %scan3A_85 = %scan3A to %scan3A_45 step %scan3A_46  : i32 {
      %mul3A_86 = arith.constant 6 : i32
      %mul3A_87 = arith.muli %scan3A_85, %mul3A_86 : i32
      %add3A_88 = arith.constant 0 : i32
      %add3A_89 = arith.addi %mul3A_87, %add3A_88 : i32
      %dma_wait3A_90 = arith.constant 0 : i32
      %dma_wait3A_91 = tpu.memref_slice %arg5[%add3A_89, %dma_wait3A_90] : memref<128x2xi32, #tpu.memory_space<vmem>> -> memref<1x2xi32, #tpu.memory_space<vmem>>
      %dma_wait3A_92 = tpu.memref_squeeze %dma_wait3A_91 : memref<1x2xi32, #tpu.memory_space<vmem>> -> memref<2xi32, #tpu.memory_space<vmem>>
      %dma_wait3A_93 = arith.constant 0 : i32
      %dma_wait3A_94 = arith.constant 0 : i32
      %dma_wait3A_95 = tpu.memref_slice %arg2[%dma_wait3A_93, %dma_wait3A_94] : memref<8192x8192xf32, #tpu.memory_space<hbm>> -> memref<8192x8192xf32, #tpu.memory_space<hbm>>
      tpu.wait_indirect_dma semaphore(%arg12 : memref<!tpu.dma_semaphore, #tpu.memory_space<semaphore_mem>>) src(%dma_wait3A_95 : memref<8192x8192xf32, #tpu.memory_space<hbm>>) dst(%arg6 : memref<2x8192xf32, #tpu.memory_space<vmem>>)
      %mul3A_96 = arith.constant 2 : i32
      %mul3A_97 = arith.muli %add3A_89, %mul3A_96 : i32
      %add3A_98 = arith.addi %mul3A_2, %mul3A_97 : i32
      %dma_start3A_99 = arith.constant 0 : i32
      %dma_start3A_100 = tpu.memref_slice %arg4[%add3A_98, %dma_start3A_99] : memref<8192x8192xf32, #tpu.memory_space<hbm>> -> memref<2x8192xf32, #tpu.memory_space<hbm>>
      %dma_start3A_101 = arith.constant 0 : i32
      %dma_start3A_102 = tpu.memref_slice %arg4[%add3A_98, %dma_start3A_101] : memref<8192x8192xf32, #tpu.memory_space<hbm>> -> memref<2x8192xf32, #tpu.memory_space<hbm>>
      tpu.enqueue_dma source(%arg6 : memref<2x8192xf32, #tpu.memory_space<vmem>>) target(%dma_start3A_102 : memref<2x8192xf32, #tpu.memory_space<hbm>>) target_semaphore(%arg18 : memref<!tpu.dma_semaphore, #tpu.memory_space<semaphore_mem>>)
      %mul3A_103 = arith.constant 2 : i32
      %mul3A_104 = arith.muli %add3A_89, %mul3A_103 : i32
      %add3A_105 = arith.addi %mul3A_2, %mul3A_104 : i32
      %dma_wait3A_106 = arith.constant 0 : i32
      %dma_wait3A_107 = tpu.memref_slice %arg4[%add3A_105, %dma_wait3A_106] : memref<8192x8192xf32, #tpu.memory_space<hbm>> -> memref<2x8192xf32, #tpu.memory_space<hbm>>
      %dma_wait3A_108 = arith.constant 0 : i32
      %dma_wait3A_109 = tpu.memref_slice %arg4[%add3A_105, %dma_wait3A_108] : memref<8192x8192xf32, #tpu.memory_space<hbm>> -> memref<2x8192xf32, #tpu.memory_space<hbm>>
      tpu.wait_dma2 semaphore(%arg18 : memref<!tpu.dma_semaphore, #tpu.memory_space<semaphore_mem>>) src(%arg6 : memref<2x8192xf32, #tpu.memory_space<vmem>>) dst(%dma_wait3A_109 : memref<2x8192xf32, #tpu.memory_space<hbm>>)
      %add3A_110 = arith.constant 6 : i32
      %add3A_111 = arith.addi %add3A_89, %add3A_110 : i32
      %lt3A = arith.constant 128 : i32
      %lt3A_112 = arith.cmpi slt, %add3A_111, %lt3A : i32
      %convert_element_type3A = arith.extui %lt3A_112 : i1 to i32
      %cond3A = arith.constant 0 : i32
      %cond3A_113 = arith.cmpi ne, %convert_element_type3A, %cond3A : i32
      scf.if %cond3A_113 {
        %add3A_259 = arith.constant 6 : i32
        %add3A_260 = arith.addi %add3A_89, %add3A_259 : i32
        %dma_start3A_261 = arith.constant 0 : i32
        %dma_start3A_262 = tpu.memref_slice %arg5[%add3A_260, %dma_start3A_261] : memref<128x2xi32, #tpu.memory_space<vmem>> -> memref<1x2xi32, #tpu.memory_space<vmem>>
        %dma_start3A_263 = tpu.memref_squeeze %dma_start3A_262 : memref<1x2xi32, #tpu.memory_space<vmem>> -> memref<2xi32, #tpu.memory_space<vmem>>
        %dma_start3A_264 = arith.constant 0 : i32
        %dma_start3A_265 = arith.constant 0 : i32
        %dma_start3A_266 = tpu.memref_slice %arg2[%dma_start3A_264, %dma_start3A_265] : memref<8192x8192xf32, #tpu.memory_space<hbm>> -> memref<8192x8192xf32, #tpu.memory_space<hbm>>
        tpu.enqueue_indirect_dma source(%dma_start3A_266 : memref<8192x8192xf32, #tpu.memory_space<hbm>>) target(%arg6 : memref<2x8192xf32, #tpu.memory_space<vmem>>) offsets(%dma_start3A_263 : memref<2xi32, #tpu.memory_space<vmem>>) semaphore(%arg12 : memref<!tpu.dma_semaphore, #tpu.memory_space<semaphore_mem>>)
      } else {
      }
      %add3A_114 = arith.constant 1 : i32
      %add3A_115 = arith.addi %mul3A_87, %add3A_114 : i32
      %dma_wait3A_116 = arith.constant 0 : i32
      %dma_wait3A_117 = tpu.memref_slice %arg5[%add3A_115, %dma_wait3A_116] : memref<128x2xi32, #tpu.memory_space<vmem>> -> memref<1x2xi32, #tpu.memory_space<vmem>>
      %dma_wait3A_118 = tpu.memref_squeeze %dma_wait3A_117 : memref<1x2xi32, #tpu.memory_space<vmem>> -> memref<2xi32, #tpu.memory_space<vmem>>
      %dma_wait3A_119 = arith.constant 0 : i32
      %dma_wait3A_120 = arith.constant 0 : i32
      %dma_wait3A_121 = tpu.memref_slice %arg2[%dma_wait3A_119, %dma_wait3A_120] : memref<8192x8192xf32, #tpu.memory_space<hbm>> -> memref<8192x8192xf32, #tpu.memory_space<hbm>>
      tpu.wait_indirect_dma semaphore(%arg13 : memref<!tpu.dma_semaphore, #tpu.memory_space<semaphore_mem>>) src(%dma_wait3A_121 : memref<8192x8192xf32, #tpu.memory_space<hbm>>) dst(%arg7 : memref<2x8192xf32, #tpu.memory_space<vmem>>)
      %mul3A_122 = arith.constant 2 : i32
      %mul3A_123 = arith.muli %add3A_115, %mul3A_122 : i32
      %add3A_124 = arith.addi %mul3A_2, %mul3A_123 : i32
      %dma_start3A_125 = arith.constant 0 : i32
      %dma_start3A_126 = tpu.memref_slice %arg4[%add3A_124, %dma_start3A_125] : memref<8192x8192xf32, #tpu.memory_space<hbm>> -> memref<2x8192xf32, #tpu.memory_space<hbm>>
      %dma_start3A_127 = arith.constant 0 : i32
      %dma_start3A_128 = tpu.memref_slice %arg4[%add3A_124, %dma_start3A_127] : memref<8192x8192xf32, #tpu.memory_space<hbm>> -> memref<2x8192xf32, #tpu.memory_space<hbm>>
      tpu.enqueue_dma source(%arg7 : memref<2x8192xf32, #tpu.memory_space<vmem>>) target(%dma_start3A_128 : memref<2x8192xf32, #tpu.memory_space<hbm>>) target_semaphore(%arg19 : memref<!tpu.dma_semaphore, #tpu.memory_space<semaphore_mem>>)
      %mul3A_129 = arith.constant 2 : i32
      %mul3A_130 = arith.muli %add3A_115, %mul3A_129 : i32
      %add3A_131 = arith.addi %mul3A_2, %mul3A_130 : i32
      %dma_wait3A_132 = arith.constant 0 : i32
      %dma_wait3A_133 = tpu.memref_slice %arg4[%add3A_131, %dma_wait3A_132] : memref<8192x8192xf32, #tpu.memory_space<hbm>> -> memref<2x8192xf32, #tpu.memory_space<hbm>>
      %dma_wait3A_134 = arith.constant 0 : i32
      %dma_wait3A_135 = tpu.memref_slice %arg4[%add3A_131, %dma_wait3A_134] : memref<8192x8192xf32, #tpu.memory_space<hbm>> -> memref<2x8192xf32, #tpu.memory_space<hbm>>
      tpu.wait_dma2 semaphore(%arg19 : memref<!tpu.dma_semaphore, #tpu.memory_space<semaphore_mem>>) src(%arg7 : memref<2x8192xf32, #tpu.memory_space<vmem>>) dst(%dma_wait3A_135 : memref<2x8192xf32, #tpu.memory_space<hbm>>)
      %add3A_136 = arith.constant 6 : i32
      %add3A_137 = arith.addi %add3A_115, %add3A_136 : i32
      %lt3A_138 = arith.constant 128 : i32
      %lt3A_139 = arith.cmpi slt, %add3A_137, %lt3A_138 : i32
      %convert_element_type3A_140 = arith.extui %lt3A_139 : i1 to i32
      %cond3A_141 = arith.constant 0 : i32
      %cond3A_142 = arith.cmpi ne, %convert_element_type3A_140, %cond3A_141 : i32
      scf.if %cond3A_142 {
        %add3A_259 = arith.constant 6 : i32
        %add3A_260 = arith.addi %add3A_115, %add3A_259 : i32
        %dma_start3A_261 = arith.constant 0 : i32
        %dma_start3A_262 = tpu.memref_slice %arg5[%add3A_260, %dma_start3A_261] : memref<128x2xi32, #tpu.memory_space<vmem>> -> memref<1x2xi32, #tpu.memory_space<vmem>>
        %dma_start3A_263 = tpu.memref_squeeze %dma_start3A_262 : memref<1x2xi32, #tpu.memory_space<vmem>> -> memref<2xi32, #tpu.memory_space<vmem>>
        %dma_start3A_264 = arith.constant 0 : i32
        %dma_start3A_265 = arith.constant 0 : i32
        %dma_start3A_266 = tpu.memref_slice %arg2[%dma_start3A_264, %dma_start3A_265] : memref<8192x8192xf32, #tpu.memory_space<hbm>> -> memref<8192x8192xf32, #tpu.memory_space<hbm>>
        tpu.enqueue_indirect_dma source(%dma_start3A_266 : memref<8192x8192xf32, #tpu.memory_space<hbm>>) target(%arg7 : memref<2x8192xf32, #tpu.memory_space<vmem>>) offsets(%dma_start3A_263 : memref<2xi32, #tpu.memory_space<vmem>>) semaphore(%arg13 : memref<!tpu.dma_semaphore, #tpu.memory_space<semaphore_mem>>)
      } else {
      }
      %add3A_143 = arith.constant 2 : i32
      %add3A_144 = arith.addi %mul3A_87, %add3A_143 : i32
      %dma_wait3A_145 = arith.constant 0 : i32
      %dma_wait3A_146 = tpu.memref_slice %arg5[%add3A_144, %dma_wait3A_145] : memref<128x2xi32, #tpu.memory_space<vmem>> -> memref<1x2xi32, #tpu.memory_space<vmem>>
      %dma_wait3A_147 = tpu.memref_squeeze %dma_wait3A_146 : memref<1x2xi32, #tpu.memory_space<vmem>> -> memref<2xi32, #tpu.memory_space<vmem>>
      %dma_wait3A_148 = arith.constant 0 : i32
      %dma_wait3A_149 = arith.constant 0 : i32
      %dma_wait3A_150 = tpu.memref_slice %arg2[%dma_wait3A_148, %dma_wait3A_149] : memref<8192x8192xf32, #tpu.memory_space<hbm>> -> memref<8192x8192xf32, #tpu.memory_space<hbm>>
      tpu.wait_indirect_dma semaphore(%arg14 : memref<!tpu.dma_semaphore, #tpu.memory_space<semaphore_mem>>) src(%dma_wait3A_150 : memref<8192x8192xf32, #tpu.memory_space<hbm>>) dst(%arg8 : memref<2x8192xf32, #tpu.memory_space<vmem>>)
      %mul3A_151 = arith.constant 2 : i32
      %mul3A_152 = arith.muli %add3A_144, %mul3A_151 : i32
      %add3A_153 = arith.addi %mul3A_2, %mul3A_152 : i32
      %dma_start3A_154 = arith.constant 0 : i32
      %dma_start3A_155 = tpu.memref_slice %arg4[%add3A_153, %dma_start3A_154] : memref<8192x8192xf32, #tpu.memory_space<hbm>> -> memref<2x8192xf32, #tpu.memory_space<hbm>>
      %dma_start3A_156 = arith.constant 0 : i32
      %dma_start3A_157 = tpu.memref_slice %arg4[%add3A_153, %dma_start3A_156] : memref<8192x8192xf32, #tpu.memory_space<hbm>> -> memref<2x8192xf32, #tpu.memory_space<hbm>>
      tpu.enqueue_dma source(%arg8 : memref<2x8192xf32, #tpu.memory_space<vmem>>) target(%dma_start3A_157 : memref<2x8192xf32, #tpu.memory_space<hbm>>) target_semaphore(%arg20 : memref<!tpu.dma_semaphore, #tpu.memory_space<semaphore_mem>>)
      %mul3A_158 = arith.constant 2 : i32
      %mul3A_159 = arith.muli %add3A_144, %mul3A_158 : i32
      %add3A_160 = arith.addi %mul3A_2, %mul3A_159 : i32
      %dma_wait3A_161 = arith.constant 0 : i32
      %dma_wait3A_162 = tpu.memref_slice %arg4[%add3A_160, %dma_wait3A_161] : memref<8192x8192xf32, #tpu.memory_space<hbm>> -> memref<2x8192xf32, #tpu.memory_space<hbm>>
      %dma_wait3A_163 = arith.constant 0 : i32
      %dma_wait3A_164 = tpu.memref_slice %arg4[%add3A_160, %dma_wait3A_163] : memref<8192x8192xf32, #tpu.memory_space<hbm>> -> memref<2x8192xf32, #tpu.memory_space<hbm>>
      tpu.wait_dma2 semaphore(%arg20 : memref<!tpu.dma_semaphore, #tpu.memory_space<semaphore_mem>>) src(%arg8 : memref<2x8192xf32, #tpu.memory_space<vmem>>) dst(%dma_wait3A_164 : memref<2x8192xf32, #tpu.memory_space<hbm>>)
      %add3A_165 = arith.constant 6 : i32
      %add3A_166 = arith.addi %add3A_144, %add3A_165 : i32
      %lt3A_167 = arith.constant 128 : i32
      %lt3A_168 = arith.cmpi slt, %add3A_166, %lt3A_167 : i32
      %convert_element_type3A_169 = arith.extui %lt3A_168 : i1 to i32
      %cond3A_170 = arith.constant 0 : i32
      %cond3A_171 = arith.cmpi ne, %convert_element_type3A_169, %cond3A_170 : i32
      scf.if %cond3A_171 {
        %add3A_259 = arith.constant 6 : i32
        %add3A_260 = arith.addi %add3A_144, %add3A_259 : i32
        %dma_start3A_261 = arith.constant 0 : i32
        %dma_start3A_262 = tpu.memref_slice %arg5[%add3A_260, %dma_start3A_261] : memref<128x2xi32, #tpu.memory_space<vmem>> -> memref<1x2xi32, #tpu.memory_space<vmem>>
        %dma_start3A_263 = tpu.memref_squeeze %dma_start3A_262 : memref<1x2xi32, #tpu.memory_space<vmem>> -> memref<2xi32, #tpu.memory_space<vmem>>
        %dma_start3A_264 = arith.constant 0 : i32
        %dma_start3A_265 = arith.constant 0 : i32
        %dma_start3A_266 = tpu.memref_slice %arg2[%dma_start3A_264, %dma_start3A_265] : memref<8192x8192xf32, #tpu.memory_space<hbm>> -> memref<8192x8192xf32, #tpu.memory_space<hbm>>
        tpu.enqueue_indirect_dma source(%dma_start3A_266 : memref<8192x8192xf32, #tpu.memory_space<hbm>>) target(%arg8 : memref<2x8192xf32, #tpu.memory_space<vmem>>) offsets(%dma_start3A_263 : memref<2xi32, #tpu.memory_space<vmem>>) semaphore(%arg14 : memref<!tpu.dma_semaphore, #tpu.memory_space<semaphore_mem>>)
      } else {
      }
      %add3A_172 = arith.constant 3 : i32
      %add3A_173 = arith.addi %mul3A_87, %add3A_172 : i32
      %dma_wait3A_174 = arith.constant 0 : i32
      %dma_wait3A_175 = tpu.memref_slice %arg5[%add3A_173, %dma_wait3A_174] : memref<128x2xi32, #tpu.memory_space<vmem>> -> memref<1x2xi32, #tpu.memory_space<vmem>>
      %dma_wait3A_176 = tpu.memref_squeeze %dma_wait3A_175 : memref<1x2xi32, #tpu.memory_space<vmem>> -> memref<2xi32, #tpu.memory_space<vmem>>
      %dma_wait3A_177 = arith.constant 0 : i32
      %dma_wait3A_178 = arith.constant 0 : i32
      %dma_wait3A_179 = tpu.memref_slice %arg2[%dma_wait3A_177, %dma_wait3A_178] : memref<8192x8192xf32, #tpu.memory_space<hbm>> -> memref<8192x8192xf32, #tpu.memory_space<hbm>>
      tpu.wait_indirect_dma semaphore(%arg15 : memref<!tpu.dma_semaphore, #tpu.memory_space<semaphore_mem>>) src(%dma_wait3A_179 : memref<8192x8192xf32, #tpu.memory_space<hbm>>) dst(%arg9 : memref<2x8192xf32, #tpu.memory_space<vmem>>)
      %mul3A_180 = arith.constant 2 : i32
      %mul3A_181 = arith.muli %add3A_173, %mul3A_180 : i32
      %add3A_182 = arith.addi %mul3A_2, %mul3A_181 : i32
      %dma_start3A_183 = arith.constant 0 : i32
      %dma_start3A_184 = tpu.memref_slice %arg4[%add3A_182, %dma_start3A_183] : memref<8192x8192xf32, #tpu.memory_space<hbm>> -> memref<2x8192xf32, #tpu.memory_space<hbm>>
      %dma_start3A_185 = arith.constant 0 : i32
      %dma_start3A_186 = tpu.memref_slice %arg4[%add3A_182, %dma_start3A_185] : memref<8192x8192xf32, #tpu.memory_space<hbm>> -> memref<2x8192xf32, #tpu.memory_space<hbm>>
      tpu.enqueue_dma source(%arg9 : memref<2x8192xf32, #tpu.memory_space<vmem>>) target(%dma_start3A_186 : memref<2x8192xf32, #tpu.memory_space<hbm>>) target_semaphore(%arg21 : memref<!tpu.dma_semaphore, #tpu.memory_space<semaphore_mem>>)
      %mul3A_187 = arith.constant 2 : i32
      %mul3A_188 = arith.muli %add3A_173, %mul3A_187 : i32
      %add3A_189 = arith.addi %mul3A_2, %mul3A_188 : i32
      %dma_wait3A_190 = arith.constant 0 : i32
      %dma_wait3A_191 = tpu.memref_slice %arg4[%add3A_189, %dma_wait3A_190] : memref<8192x8192xf32, #tpu.memory_space<hbm>> -> memref<2x8192xf32, #tpu.memory_space<hbm>>
      %dma_wait3A_192 = arith.constant 0 : i32
      %dma_wait3A_193 = tpu.memref_slice %arg4[%add3A_189, %dma_wait3A_192] : memref<8192x8192xf32, #tpu.memory_space<hbm>> -> memref<2x8192xf32, #tpu.memory_space<hbm>>
      tpu.wait_dma2 semaphore(%arg21 : memref<!tpu.dma_semaphore, #tpu.memory_space<semaphore_mem>>) src(%arg9 : memref<2x8192xf32, #tpu.memory_space<vmem>>) dst(%dma_wait3A_193 : memref<2x8192xf32, #tpu.memory_space<hbm>>)
      %add3A_194 = arith.constant 6 : i32
      %add3A_195 = arith.addi %add3A_173, %add3A_194 : i32
      %lt3A_196 = arith.constant 128 : i32
      %lt3A_197 = arith.cmpi slt, %add3A_195, %lt3A_196 : i32
      %convert_element_type3A_198 = arith.extui %lt3A_197 : i1 to i32
      %cond3A_199 = arith.constant 0 : i32
      %cond3A_200 = arith.cmpi ne, %convert_element_type3A_198, %cond3A_199 : i32
      scf.if %cond3A_200 {
        %add3A_259 = arith.constant 6 : i32
        %add3A_260 = arith.addi %add3A_173, %add3A_259 : i32
        %dma_start3A_261 = arith.constant 0 : i32
        %dma_start3A_262 = tpu.memref_slice %arg5[%add3A_260, %dma_start3A_261] : memref<128x2xi32, #tpu.memory_space<vmem>> -> memref<1x2xi32, #tpu.memory_space<vmem>>
        %dma_start3A_263 = tpu.memref_squeeze %dma_start3A_262 : memref<1x2xi32, #tpu.memory_space<vmem>> -> memref<2xi32, #tpu.memory_space<vmem>>
        %dma_start3A_264 = arith.constant 0 : i32
        %dma_start3A_265 = arith.constant 0 : i32
        %dma_start3A_266 = tpu.memref_slice %arg2[%dma_start3A_264, %dma_start3A_265] : memref<8192x8192xf32, #tpu.memory_space<hbm>> -> memref<8192x8192xf32, #tpu.memory_space<hbm>>
        tpu.enqueue_indirect_dma source(%dma_start3A_266 : memref<8192x8192xf32, #tpu.memory_space<hbm>>) target(%arg9 : memref<2x8192xf32, #tpu.memory_space<vmem>>) offsets(%dma_start3A_263 : memref<2xi32, #tpu.memory_space<vmem>>) semaphore(%arg15 : memref<!tpu.dma_semaphore, #tpu.memory_space<semaphore_mem>>)
      } else {
      }
      %add3A_201 = arith.constant 4 : i32
      %add3A_202 = arith.addi %mul3A_87, %add3A_201 : i32
      %dma_wait3A_203 = arith.constant 0 : i32
      %dma_wait3A_204 = tpu.memref_slice %arg5[%add3A_202, %dma_wait3A_203] : memref<128x2xi32, #tpu.memory_space<vmem>> -> memref<1x2xi32, #tpu.memory_space<vmem>>
      %dma_wait3A_205 = tpu.memref_squeeze %dma_wait3A_204 : memref<1x2xi32, #tpu.memory_space<vmem>> -> memref<2xi32, #tpu.memory_space<vmem>>
      %dma_wait3A_206 = arith.constant 0 : i32
      %dma_wait3A_207 = arith.constant 0 : i32
      %dma_wait3A_208 = tpu.memref_slice %arg2[%dma_wait3A_206, %dma_wait3A_207] : memref<8192x8192xf32, #tpu.memory_space<hbm>> -> memref<8192x8192xf32, #tpu.memory_space<hbm>>
      tpu.wait_indirect_dma semaphore(%arg16 : memref<!tpu.dma_semaphore, #tpu.memory_space<semaphore_mem>>) src(%dma_wait3A_208 : memref<8192x8192xf32, #tpu.memory_space<hbm>>) dst(%arg10 : memref<2x8192xf32, #tpu.memory_space<vmem>>)
      %mul3A_209 = arith.constant 2 : i32
      %mul3A_210 = arith.muli %add3A_202, %mul3A_209 : i32
      %add3A_211 = arith.addi %mul3A_2, %mul3A_210 : i32
      %dma_start3A_212 = arith.constant 0 : i32
      %dma_start3A_213 = tpu.memref_slice %arg4[%add3A_211, %dma_start3A_212] : memref<8192x8192xf32, #tpu.memory_space<hbm>> -> memref<2x8192xf32, #tpu.memory_space<hbm>>
      %dma_start3A_214 = arith.constant 0 : i32
      %dma_start3A_215 = tpu.memref_slice %arg4[%add3A_211, %dma_start3A_214] : memref<8192x8192xf32, #tpu.memory_space<hbm>> -> memref<2x8192xf32, #tpu.memory_space<hbm>>
      tpu.enqueue_dma source(%arg10 : memref<2x8192xf32, #tpu.memory_space<vmem>>) target(%dma_start3A_215 : memref<2x8192xf32, #tpu.memory_space<hbm>>) target_semaphore(%arg22 : memref<!tpu.dma_semaphore, #tpu.memory_space<semaphore_mem>>)
      %mul3A_216 = arith.constant 2 : i32
      %mul3A_217 = arith.muli %add3A_202, %mul3A_216 : i32
      %add3A_218 = arith.addi %mul3A_2, %mul3A_217 : i32
      %dma_wait3A_219 = arith.constant 0 : i32
      %dma_wait3A_220 = tpu.memref_slice %arg4[%add3A_218, %dma_wait3A_219] : memref<8192x8192xf32, #tpu.memory_space<hbm>> -> memref<2x8192xf32, #tpu.memory_space<hbm>>
      %dma_wait3A_221 = arith.constant 0 : i32
      %dma_wait3A_222 = tpu.memref_slice %arg4[%add3A_218, %dma_wait3A_221] : memref<8192x8192xf32, #tpu.memory_space<hbm>> -> memref<2x8192xf32, #tpu.memory_space<hbm>>
      tpu.wait_dma2 semaphore(%arg22 : memref<!tpu.dma_semaphore, #tpu.memory_space<semaphore_mem>>) src(%arg10 : memref<2x8192xf32, #tpu.memory_space<vmem>>) dst(%dma_wait3A_222 : memref<2x8192xf32, #tpu.memory_space<hbm>>)
      %add3A_223 = arith.constant 6 : i32
      %add3A_224 = arith.addi %add3A_202, %add3A_223 : i32
      %lt3A_225 = arith.constant 128 : i32
      %lt3A_226 = arith.cmpi slt, %add3A_224, %lt3A_225 : i32
      %convert_element_type3A_227 = arith.extui %lt3A_226 : i1 to i32
      %cond3A_228 = arith.constant 0 : i32
      %cond3A_229 = arith.cmpi ne, %convert_element_type3A_227, %cond3A_228 : i32
      scf.if %cond3A_229 {
        %add3A_259 = arith.constant 6 : i32
        %add3A_260 = arith.addi %add3A_202, %add3A_259 : i32
        %dma_start3A_261 = arith.constant 0 : i32
        %dma_start3A_262 = tpu.memref_slice %arg5[%add3A_260, %dma_start3A_261] : memref<128x2xi32, #tpu.memory_space<vmem>> -> memref<1x2xi32, #tpu.memory_space<vmem>>
        %dma_start3A_263 = tpu.memref_squeeze %dma_start3A_262 : memref<1x2xi32, #tpu.memory_space<vmem>> -> memref<2xi32, #tpu.memory_space<vmem>>
        %dma_start3A_264 = arith.constant 0 : i32
        %dma_start3A_265 = arith.constant 0 : i32
        %dma_start3A_266 = tpu.memref_slice %arg2[%dma_start3A_264, %dma_start3A_265] : memref<8192x8192xf32, #tpu.memory_space<hbm>> -> memref<8192x8192xf32, #tpu.memory_space<hbm>>
        tpu.enqueue_indirect_dma source(%dma_start3A_266 : memref<8192x8192xf32, #tpu.memory_space<hbm>>) target(%arg10 : memref<2x8192xf32, #tpu.memory_space<vmem>>) offsets(%dma_start3A_263 : memref<2xi32, #tpu.memory_space<vmem>>) semaphore(%arg16 : memref<!tpu.dma_semaphore, #tpu.memory_space<semaphore_mem>>)
      } else {
      }
      %add3A_230 = arith.constant 5 : i32
      %add3A_231 = arith.addi %mul3A_87, %add3A_230 : i32
      %dma_wait3A_232 = arith.constant 0 : i32
      %dma_wait3A_233 = tpu.memref_slice %arg5[%add3A_231, %dma_wait3A_232] : memref<128x2xi32, #tpu.memory_space<vmem>> -> memref<1x2xi32, #tpu.memory_space<vmem>>
      %dma_wait3A_234 = tpu.memref_squeeze %dma_wait3A_233 : memref<1x2xi32, #tpu.memory_space<vmem>> -> memref<2xi32, #tpu.memory_space<vmem>>
      %dma_wait3A_235 = arith.constant 0 : i32
      %dma_wait3A_236 = arith.constant 0 : i32
      %dma_wait3A_237 = tpu.memref_slice %arg2[%dma_wait3A_235, %dma_wait3A_236] : memref<8192x8192xf32, #tpu.memory_space<hbm>> -> memref<8192x8192xf32, #tpu.memory_space<hbm>>
      tpu.wait_indirect_dma semaphore(%arg17 : memref<!tpu.dma_semaphore, #tpu.memory_space<semaphore_mem>>) src(%dma_wait3A_237 : memref<8192x8192xf32, #tpu.memory_space<hbm>>) dst(%arg11 : memref<2x8192xf32, #tpu.memory_space<vmem>>)
      %mul3A_238 = arith.constant 2 : i32
      %mul3A_239 = arith.muli %add3A_231, %mul3A_238 : i32
      %add3A_240 = arith.addi %mul3A_2, %mul3A_239 : i32
      %dma_start3A_241 = arith.constant 0 : i32
      %dma_start3A_242 = tpu.memref_slice %arg4[%add3A_240, %dma_start3A_241] : memref<8192x8192xf32, #tpu.memory_space<hbm>> -> memref<2x8192xf32, #tpu.memory_space<hbm>>
      %dma_start3A_243 = arith.constant 0 : i32
      %dma_start3A_244 = tpu.memref_slice %arg4[%add3A_240, %dma_start3A_243] : memref<8192x8192xf32, #tpu.memory_space<hbm>> -> memref<2x8192xf32, #tpu.memory_space<hbm>>
      tpu.enqueue_dma source(%arg11 : memref<2x8192xf32, #tpu.memory_space<vmem>>) target(%dma_start3A_244 : memref<2x8192xf32, #tpu.memory_space<hbm>>) target_semaphore(%arg23 : memref<!tpu.dma_semaphore, #tpu.memory_space<semaphore_mem>>)
      %mul3A_245 = arith.constant 2 : i32
      %mul3A_246 = arith.muli %add3A_231, %mul3A_245 : i32
      %add3A_247 = arith.addi %mul3A_2, %mul3A_246 : i32
      %dma_wait3A_248 = arith.constant 0 : i32
      %dma_wait3A_249 = tpu.memref_slice %arg4[%add3A_247, %dma_wait3A_248] : memref<8192x8192xf32, #tpu.memory_space<hbm>> -> memref<2x8192xf32, #tpu.memory_space<hbm>>
      %dma_wait3A_250 = arith.constant 0 : i32
      %dma_wait3A_251 = tpu.memref_slice %arg4[%add3A_247, %dma_wait3A_250] : memref<8192x8192xf32, #tpu.memory_space<hbm>> -> memref<2x8192xf32, #tpu.memory_space<hbm>>
      tpu.wait_dma2 semaphore(%arg23 : memref<!tpu.dma_semaphore, #tpu.memory_space<semaphore_mem>>) src(%arg11 : memref<2x8192xf32, #tpu.memory_space<vmem>>) dst(%dma_wait3A_251 : memref<2x8192xf32, #tpu.memory_space<hbm>>)
      %add3A_252 = arith.constant 6 : i32
      %add3A_253 = arith.addi %add3A_231, %add3A_252 : i32
      %lt3A_254 = arith.constant 128 : i32
      %lt3A_255 = arith.cmpi slt, %add3A_253, %lt3A_254 : i32
      %convert_element_type3A_256 = arith.extui %lt3A_255 : i1 to i32
      %cond3A_257 = arith.constant 0 : i32
      %cond3A_258 = arith.cmpi ne, %convert_element_type3A_256, %cond3A_257 : i32
      scf.if %cond3A_258 {
        %add3A_259 = arith.constant 6 : i32
        %add3A_260 = arith.addi %add3A_231, %add3A_259 : i32
        %dma_start3A_261 = arith.constant 0 : i32
        %dma_start3A_262 = tpu.memref_slice %arg5[%add3A_260, %dma_start3A_261] : memref<128x2xi32, #tpu.memory_space<vmem>> -> memref<1x2xi32, #tpu.memory_space<vmem>>
        %dma_start3A_263 = tpu.memref_squeeze %dma_start3A_262 : memref<1x2xi32, #tpu.memory_space<vmem>> -> memref<2xi32, #tpu.memory_space<vmem>>
        %dma_start3A_264 = arith.constant 0 : i32
        %dma_start3A_265 = arith.constant 0 : i32
        %dma_start3A_266 = tpu.memref_slice %arg2[%dma_start3A_264, %dma_start3A_265] : memref<8192x8192xf32, #tpu.memory_space<hbm>> -> memref<8192x8192xf32, #tpu.memory_space<hbm>>
        tpu.enqueue_indirect_dma source(%dma_start3A_266 : memref<8192x8192xf32, #tpu.memory_space<hbm>>) target(%arg11 : memref<2x8192xf32, #tpu.memory_space<vmem>>) offsets(%dma_start3A_263 : memref<2xi32, #tpu.memory_space<vmem>>) semaphore(%arg17 : memref<!tpu.dma_semaphore, #tpu.memory_space<semaphore_mem>>)
      } else {
      }
    }
    %scan3A_47 = arith.constant 21 : i32
    %dma_wait3A = arith.constant 126 : i32
    %dma_wait3A_48 = arith.constant 0 : i32
    %dma_wait3A_49 = tpu.memref_slice %arg5[%dma_wait3A, %dma_wait3A_48] : memref<128x2xi32, #tpu.memory_space<vmem>> -> memref<1x2xi32, #tpu.memory_space<vmem>>
    %dma_wait3A_50 = tpu.memref_squeeze %dma_wait3A_49 : memref<1x2xi32, #tpu.memory_space<vmem>> -> memref<2xi32, #tpu.memory_space<vmem>>
    %dma_wait3A_51 = arith.constant 0 : i32
    %dma_wait3A_52 = arith.constant 0 : i32
    %dma_wait3A_53 = tpu.memref_slice %arg2[%dma_wait3A_51, %dma_wait3A_52] : memref<8192x8192xf32, #tpu.memory_space<hbm>> -> memref<8192x8192xf32, #tpu.memory_space<hbm>>
    tpu.wait_indirect_dma semaphore(%arg12 : memref<!tpu.dma_semaphore, #tpu.memory_space<semaphore_mem>>) src(%dma_wait3A_53 : memref<8192x8192xf32, #tpu.memory_space<hbm>>) dst(%arg6 : memref<2x8192xf32, #tpu.memory_space<vmem>>)
    %add3A_54 = arith.constant 252 : i32
    %add3A_55 = arith.addi %mul3A_2, %add3A_54 : i32
    %dma_start3A_56 = arith.constant 0 : i32
    %dma_start3A_57 = tpu.memref_slice %arg4[%add3A_55, %dma_start3A_56] : memref<8192x8192xf32, #tpu.memory_space<hbm>> -> memref<2x8192xf32, #tpu.memory_space<hbm>>
    %dma_start3A_58 = arith.constant 0 : i32
    %dma_start3A_59 = tpu.memref_slice %arg4[%add3A_55, %dma_start3A_58] : memref<8192x8192xf32, #tpu.memory_space<hbm>> -> memref<2x8192xf32, #tpu.memory_space<hbm>>
    tpu.enqueue_dma source(%arg6 : memref<2x8192xf32, #tpu.memory_space<vmem>>) target(%dma_start3A_59 : memref<2x8192xf32, #tpu.memory_space<hbm>>) target_semaphore(%arg18 : memref<!tpu.dma_semaphore, #tpu.memory_space<semaphore_mem>>)
    %add3A_60 = arith.constant 252 : i32
    %add3A_61 = arith.addi %mul3A_2, %add3A_60 : i32
    %dma_wait3A_62 = arith.constant 0 : i32
    %dma_wait3A_63 = tpu.memref_slice %arg4[%add3A_61, %dma_wait3A_62] : memref<8192x8192xf32, #tpu.memory_space<hbm>> -> memref<2x8192xf32, #tpu.memory_space<hbm>>
    %dma_wait3A_64 = arith.constant 0 : i32
    %dma_wait3A_65 = tpu.memref_slice %arg4[%add3A_61, %dma_wait3A_64] : memref<8192x8192xf32, #tpu.memory_space<hbm>> -> memref<2x8192xf32, #tpu.memory_space<hbm>>
    tpu.wait_dma2 semaphore(%arg18 : memref<!tpu.dma_semaphore, #tpu.memory_space<semaphore_mem>>) src(%arg6 : memref<2x8192xf32, #tpu.memory_space<vmem>>) dst(%dma_wait3A_65 : memref<2x8192xf32, #tpu.memory_space<hbm>>)
    %dma_wait3A_66 = arith.constant 127 : i32
    %dma_wait3A_67 = arith.constant 0 : i32
    %dma_wait3A_68 = tpu.memref_slice %arg5[%dma_wait3A_66, %dma_wait3A_67] : memref<128x2xi32, #tpu.memory_space<vmem>> -> memref<1x2xi32, #tpu.memory_space<vmem>>
    %dma_wait3A_69 = tpu.memref_squeeze %dma_wait3A_68 : memref<1x2xi32, #tpu.memory_space<vmem>> -> memref<2xi32, #tpu.memory_space<vmem>>
    %dma_wait3A_70 = arith.constant 0 : i32
    %dma_wait3A_71 = arith.constant 0 : i32
    %dma_wait3A_72 = tpu.memref_slice %arg2[%dma_wait3A_70, %dma_wait3A_71] : memref<8192x8192xf32, #tpu.memory_space<hbm>> -> memref<8192x8192xf32, #tpu.memory_space<hbm>>
    tpu.wait_indirect_dma semaphore(%arg13 : memref<!tpu.dma_semaphore, #tpu.memory_space<semaphore_mem>>) src(%dma_wait3A_72 : memref<8192x8192xf32, #tpu.memory_space<hbm>>) dst(%arg7 : memref<2x8192xf32, #tpu.memory_space<vmem>>)
    %add3A_73 = arith.constant 254 : i32
    %add3A_74 = arith.addi %mul3A_2, %add3A_73 : i32
    %dma_start3A_75 = arith.constant 0 : i32
    %dma_start3A_76 = tpu.memref_slice %arg4[%add3A_74, %dma_start3A_75] : memref<8192x8192xf32, #tpu.memory_space<hbm>> -> memref<2x8192xf32, #tpu.memory_space<hbm>>
    %dma_start3A_77 = arith.constant 0 : i32
    %dma_start3A_78 = tpu.memref_slice %arg4[%add3A_74, %dma_start3A_77] : memref<8192x8192xf32, #tpu.memory_space<hbm>> -> memref<2x8192xf32, #tpu.memory_space<hbm>>
    tpu.enqueue_dma source(%arg7 : memref<2x8192xf32, #tpu.memory_space<vmem>>) target(%dma_start3A_78 : memref<2x8192xf32, #tpu.memory_space<hbm>>) target_semaphore(%arg19 : memref<!tpu.dma_semaphore, #tpu.memory_space<semaphore_mem>>)
    %add3A_79 = arith.constant 254 : i32
    %add3A_80 = arith.addi %mul3A_2, %add3A_79 : i32
    %dma_wait3A_81 = arith.constant 0 : i32
    %dma_wait3A_82 = tpu.memref_slice %arg4[%add3A_80, %dma_wait3A_81] : memref<8192x8192xf32, #tpu.memory_space<hbm>> -> memref<2x8192xf32, #tpu.memory_space<hbm>>
    %dma_wait3A_83 = arith.constant 0 : i32
    %dma_wait3A_84 = tpu.memref_slice %arg4[%add3A_80, %dma_wait3A_83] : memref<8192x8192xf32, #tpu.memory_space<hbm>> -> memref<2x8192xf32, #tpu.memory_space<hbm>>
    tpu.wait_dma2 semaphore(%arg19 : memref<!tpu.dma_semaphore, #tpu.memory_space<semaphore_mem>>) src(%arg7 : memref<2x8192xf32, #tpu.memory_space<vmem>>) dst(%dma_wait3A_84 : memref<2x8192xf32, #tpu.memory_space<hbm>>)
    return
  }
}

</mosaic_0001>

<sc_bundles>
// kernel: kernel.3.cloned.1.call-start
scs
__scs_entry_jumppad:
0x0: {  	(pc) =	sbr.rel $0x88, $3  }
0x1: {  	(tag) =	ssettag $0x0;
	lr =	simm.s32 $0x1  }
0x2: {  	[smem:$0x3F9F] =	sst lr;
	_ =	strace $0xD0000000  }
0x3: {  	_ = 	snop  }
0x4: {  	_ = 	snop  }
0x5: {  	_ = 	snop  }
0x6: {  	_ = 	snop  }
0x7: {  	_ = 	snop  }
__scs_overlays_trampoline_lowered:
0x8: {  	[smem:$0x3FAE] =	sst s0  }
0x9: {  	[smem:$0x3FAF] =	sst s1  }
0xa: {  	[smem:$0x3FB0] =	sst s2  }
0xb: {  	[smem:$0x3FB1] =	sst s3  }
0xc: {  	[smem:$0x3FB2] =	sst s4  }
0xd: {  	[smem:$0x3FB3] =	sst s5  }
0xe: {  	[smem:$0x3FB4] =	sst s6  }
0xf: {  	[smem:$0x3FB5] =	sst s7  }
0x10: {  	[smem:$0x3FB6] =	sst s8  }
0x11: {  	[smem:$0x3FB7] =	sst s9;
	s0 =	simm.s32 @!p0 $0x0  }
0x12: {  	s1 =	sld [smem:$0x3F9D];
	s0 =	simm.s32 @p0 $0x1  }
0x13: {  	[smem:$0x3FB8] =	sst s0;
	s0 =	simm.s32 @!p1 $0x0  }
0x14: {  	s2 =	sld [smem:$0x3F9C];
	s0 =	simm.s32 @p1 $0x1  }
0x15: {  	[smem:$0x3FB9] =	sst s0;
	s0 =	simm.s32 @!p2 $0x0  }
0x16: {  	s3 =	sld [smem:$0x3FDB];
	s0 =	simm.s32 @p2 $0x1  }
0x17: {  	s4 =	simm.s32 $0x1BF5;
	[smem:$0x3FBB] =	sst s0  }
0x18: {  	s0 =	sld [smem:$0x3F9E];
	_ =	swait.ge [sflag:s4], $0x0  }
0x19: {  	s7 =	sld [smem:$0x3F9F]  }
0x1a: {  	s8 =	sadd.s32 $0xFFFFE003, lr  }
0x1b: {  	s9 =	sadd.s32 $0xFFFFFEF7, lr;
	s5 =	simm.s32 $0xFFFFFFFF;
	p2 =	slt.u32 s8, $0xFFFFF086  }
0x1c: {  	p1 =	slt.u32 s9, $0xF7A;
	s5 =	simm.s32 @!p2 $0x0  }
0x1d: {  	s5 =	simm.s32 @p1 $0x1;
	p0 =	seq.s32 s7, s2  }
0x1e: {  	s7 =	smul.u32 @!p0 $0xF7A, s2;
	p2 =	seq.s32 @!p0 s5, $0x0  }
0x1f: {  	s9 =	smul.u32 $0xF7A, s1;
	s8 =	simm.s32 @!p0 $0x1BF5;
	p2 =	por !p2, p0  }
0x20: {  	[sflag:s8] =	ssyncset.s32 @!p0 $0xFFFFF086;
	s6 =	sadd.s32 @!p0 s3, s7;
	s7 =	simm.s32 @!p0 $0x108  }
0x21: {  	s3 =	sadd.s32 s3, s9;
	s6 =	sadd.s32 @!p0 $0x88, s6;
	s7 =	simm.s32 @p2 $0x1082  }
0x22: {  	[simem:s7], [sflag:s8] =	dma.local @!p0 [hbm:s6], $0xF7A  }
0x23: {  	s9 =	sor.u32 $0xD0000000, s2;
	s6 =	simm.s32 $0x108;
	_ =	swait.ge @!p0 [sflag:s8], $0x0  }
0x24: {  	s3 =	sadd.s32 $0x88, s3;
	s6 =	simm.s32 @!p1 $0x1082;
	[sflag:s4] =	ssyncset.s32 $0xFFFFF086  }
0x25: {  	[simem:s6], [sflag:s4] =	dma.local [hbm:s3], $0xF7A  }
0x26: {  	[smem:$0x3F9F] =	sst s1;
	(tag) =	ssettag s2;
	_ =	strace s9  }
0x27: {  	s1 =	sld [smem:$0x3FAF]  }
0x28: {  	s2 =	sld [smem:$0x3FB0]  }
0x29: {  	s4 =	sld [smem:$0x3FB2]  }
0x2a: {  	p0 =	seq.s32 s5, $0x0;
	s5 =	sld [smem:$0x3FB3]  }
0x2b: {  	s6 =	sld [smem:$0x3FB4]  }
0x2c: {  	s7 =	sld [smem:$0x3FB5]  }
0x2d: {  	s3 =	simm.s32 $0x108;
	s8 =	sld [smem:$0x3FB6]  }
0x2e: {  	s3 =	simm.s32 @!p0 $0x1082;
	s9 =	sld [smem:$0x3FB7]  }
0x2f: {  	lr =	sadd.s32 s0, s3;
	s0 =	sld [smem:$0x3FAE]  }
0x30: {  	s3 =	sld [smem:$0x3FB1]  }
0x31: {  	[smem:$0x3FBA] =	sst s10  }
0x32: {  	s10 =	sld [smem:$0x3FB8];
	_ =	sdelay $0x3  }
0x33: {  	p0 =	seq.s32 s10, $0x1;
	s10 =	sld [smem:$0x3FBA];
	_ =	sdelay $0x3  }
0x34: {  	[smem:$0x3FBA] =	sst s10  }
0x35: {  	s10 =	sld [smem:$0x3FB9];
	_ =	sdelay $0x3  }
0x36: {  	p1 =	seq.s32 s10, $0x1;
	s10 =	sld [smem:$0x3FBA];
	_ =	sdelay $0x3  }
0x37: {  	[smem:$0x3FBA] =	sst s10  }
0x38: {  	s10 =	sld [smem:$0x3FBB]  }
0x39: {  	_ = 	snop;
	(pc) =	sbr.ind lr, $3  }
0x3a: {  	_ = 	snop  }
0x3b: {  	_ = 	snop  }
0x3c: {  	p2 =	seq.s32 s10, $0x1;
	s10 =	sld [smem:$0x3FBA]  }
0x3d: {  	_ =	shalt  }
0x3e: {  	_ =	shalt  }
0x3f: {  	_ =	shalt  }
0x40: {  	_ =	shalt  }
0x41: {  	_ =	shalt  }
0x42: {  	_ =	shalt  }
0x43: {  	_ =	shalt  }
0x44: {  	_ =	shalt  }
0x45: {  	_ =	shalt  }
0x46: {  	_ =	shalt  }
0x47: {  	_ =	shalt  }
0x48: {  	_ =	shalt  }
0x49: {  	_ =	shalt  }
0x4a: {  	_ =	shalt  }
0x4b: {  	_ =	shalt  }
0x4c: {  	_ =	shalt  }
0x4d: {  	_ =	shalt  }
0x4e: {  	_ =	shalt  }
0x4f: {  	_ =	shalt  }
0x50: {  	_ =	shalt  }
0x51: {  	_ =	shalt  }
0x52: {  	_ =	shalt  }
0x53: {  	_ =	shalt  }
0x54: {  	_ =	shalt  }
0x55: {  	_ =	shalt  }
0x56: {  	_ =	shalt  }
0x57: {  	_ =	shalt  }
0x58: {  	_ =	shalt  }
0x59: {  	_ =	shalt  }
0x5a: {  	_ =	shalt  }
0x5b: {  	_ =	shalt  }
0x5c: {  	_ =	shalt  }
0x5d: {  	_ =	shalt  }
0x5e: {  	_ =	shalt  }
0x5f: {  	_ =	shalt  }
0x60: {  	_ =	shalt  }
0x61: {  	_ =	shalt  }
0x62: {  	_ =	shalt  }
0x63: {  	_ =	shalt  }
0x64: {  	_ =	shalt  }
0x65: {  	_ =	shalt  }
0x66: {  	_ =	shalt  }
0x67: {  	_ =	shalt  }
0x68: {  	_ =	shalt  }
0x69: {  	_ =	shalt  }
0x6a: {  	_ =	shalt  }
0x6b: {  	_ =	shalt  }
0x6c: {  	_ =	shalt  }
0x6d: {  	_ =	shalt  }
0x6e: {  	_ =	shalt  }
0x6f: {  	_ =	shalt  }
0x70: {  	_ =	shalt  }
0x71: {  	_ =	shalt  }
0x72: {  	_ =	shalt  }
0x73: {  	_ =	shalt  }
0x74: {  	_ =	shalt  }
0x75: {  	_ =	shalt  }
0x76: {  	_ =	shalt  }
0x77: {  	_ =	shalt  }
0x78: {  	_ =	shalt  }
0x79: {  	_ =	shalt  }
0x7a: {  	_ =	shalt  }
0x7b: {  	_ =	shalt  }
0x7c: {  	_ =	shalt  }
0x7d: {  	_ =	shalt  }
0x7e: {  	_ =	shalt  }
0x7f: {  	_ =	shalt  }
0x80: {  	_ =	shalt  }
0x81: {  	_ =	shalt  }
0x82: {  	_ =	shalt  }
0x83: {  	_ =	shalt  }
0x84: {  	_ =	shalt  }
0x85: {  	_ =	shalt  }
0x86: {  	_ =	shalt  }
0x87: {  	_ =	shalt  }
.Lfunc_end0:
.L_simem_size_0:
called_computation_lowered:
.L_overlay_start_0:
0x88: {  	s2 =	sld [smem:$0x3FD9]  }
0x89: {  	s3 =	sld [smem:$0x3FFE];
	_ =	sdelay $0x1  }
0x8a: {  	s1 =	srdreg.scid  }
0x8b: {  	s0 =	sand.u32 $0x1, s1  }
0x8c: {  	s17 =	sshll.u32 s0, $0xA;
	s2 =	sadd.s32 s3, s2  }
0x8d: {  	s2 =	sadd.s32 s2, s17  }
0x8e: {  	[smem:$0x3FC6] =	sst s2  }
0x8f: {  	_ = 	snop  }
0x90: {  	s2 =	sld [smem:$0x3FC8]  }
0x91: {  	s18 =	sld [smem:$0x3FD0];
	(tm) =	ssettm $0x1  }
0x92: {  	s4 =	sld [smem:$0x3FFB];
	_ =	sdelay $0x3  }
0x93: {  	_ =	strace s4  }
0x94: {  	s4 =	sld [smem:$0x3FFC];
	_ =	sdelay $0x3  }
0x95: {  	_ =	strace s4  }
0x96: {  	s4 =	sld [smem:$0x3FFD];
	_ =	sdelay $0x3  }
0x97: {  	_ =	strace s4  }
0x98: {  	_ =	strace $0x8FFFFFFF  }
0x99: {  	s19 =	sld [smem:$0x3FDB];
	_ =	sdelay $0x1  }
0x9a: {  	s5 =	simm.s32 $_scs_section_size  }
0x9b: {  	s6 =	simm.s32 $_size__tile_overlayer_lowered;
	s7 =	simm.s32 $_tile_overlayer_lowered  }
0x9c: {  	s22 =	simm.s32 $0x1BFF;
	s21 =	sshll.u32 s7, $0x1;
	s4 =	sadd.s32 s5, s19  }
0x9d: {  	s8 =	simm.s32 $0x0;
	s20 =	sshll.u32 s6, $0x1;
	s6 =	sadd.s32 s21, s4  }
0x9e: {  	[timem:s8], [sflag:s22] =	dma.local [hbm:s6], s20  }
0x9f: {  	_ =	swait.ge [sflag:s22], s20  }
0xa0: {  	s5 =	ssub.s32 $0x0, s20;
	[sflag:s22] =	ssyncset.done $0x0  }
0xa1: {  	[sflag:s22] =	ssyncadd.s32 s5;
	_ =	sdelay $0x1  }
0xa2: {  	s23 =	simm.s32 $0x1B8B  }
0xa3: {  	_ =	swait.ge [sflag:s23], $0x1  }
0xa4: {  	[sflag:s23] =	ssyncset.done $0x0  }
0xa5: {  	s25 =	simm.s32 $0x1B8E;
	s24 =	sld [smem:$0x3FFE];
	[sflag:s23] =	ssyncadd.s32 $0xFFFFFFFF  }
0xa6: {  	s26 =	simm.s32 $execute0_lowered;
	[smem:$0x3FD2] =	sst s25  }
0xa7: {  	s6 =	sshll.u32 s26, $0x1;
	_ =	strace $0x80000046;
	[dreg:$0x1] =	wrdreg $0xFFFFFFFF  }
0xa8: {  	s28 =	simm.s32 $_size_execute0_lowered;
	s4 =	sadd.s32 s4, s6;
	[dreg:$0x0] =	wrdreg $0x0  }
0xa9: {  	s6 =	sshll.u32 s28, $0x1;
	[dreg:$0x2] =	wrdreg s4  }
0xaa: {  	[dreg:$0x3] =	wrdreg s6  }
0xab: {  	[dreg:$0x4] =	wrdreg $0xC0  }
0xac: {  	_ =	task [dreg:s8], $0x5FFFF  }
0xad: {  	[dreg:$0x1] =	wrdreg $0xFFFFFFFF  }
0xae: {  	[dreg:$0x0] =	wrdreg $0x60  }
0xaf: {  	[dreg:$0x2] =	wrdreg s2  }
0xb0: {  	[dreg:$0x3] =	wrdreg s24  }
0xb1: {  	[dreg:$0x4] =	wrdreg s18  }
0xb2: {  	[dreg:$0x5] =	wrdreg $0x9  }
0xb3: {  	_ =	task.clear_ibuf [dreg:s8], $0x6FFFF;
	_ =	strace $0x90000046  }
0xb4: {  	s29 =	simm.s32 $0x9;
	_ =	strace $0x80000048  }
0xb5: {  	_ =	swait.ge [sflag:s29], $0x1  }
0xb6: {  	[sflag:s29] =	ssyncadd.s32 $0xFFFFFFFF  }
0xb7: {  	_ =	strace $0x90000048  }
0xb8: {  	_ =	sfence  }
0xb9: {  	s30 =	sld [smem:$0x0];
	_ =	sdelay $0x2  }
0xba: {  	s31 =	sshll.u32 s1, $0xD;
	s1 =	sshrl.u32 s1, $0x2  }
0xbb: {  	s3 =	sand.u32 $0x4000, s31;
	s1 =	sadd.s32 s1, s30  }
0xbc: {  	s0 =	sor.u32 s3, s0;
	s1 =	sshll.u32 s1, $0x11  }
0xbd: {  	s0 =	sor.u32 s1, s0  }
0xbe: {  	s0 =	sadd.s32 $0x8F2B, s0  }
0xbf: {  	[sflag:s0] =	ssyncadd.remote.s32 $0x1  }
0xc0: {  	_ =	sfence.sel $0xFFFF  }
0xc1: {  	[dreg:$0x0] =	wrdreg $0xFFFFFFFF;
	(pc) =	sbr.abs _section_cstart, $3  }
0xc2: {  	[dreg:$0x1] =	wrdreg $0xFFFFFFFF  }
0xc3: {  	_ =	task.clear_ibuf [dreg:s8], $0x2FFFF;
	_ =	strace $0x9FFFFFFF  }
0xc4: {  	(tm) =	ssettm $0x7FFFFFFF  }
0xc5: {  	_ =	shalt  }
tec
execute0_lowered:
.L_overlay_start_1:
0x0: {  	(tag) =	ssettag $0x1  }
0x1: {  	s1 =	rddreg [dreg:$0x0]  }
0x2: {  	s0 =	rddreg [dreg:$0x1]  }
0x3: {  	s2 =	srdreg.scid;
	s14 =	stileid.u32  }
0x4: {  	s3 =	rddreg [dreg:$0x2];
	s4 =	simm.s32 $0x0;
	s16 =	simm.s32 $0x8000  }
0x5: {  	s29 =	simm.s32 $0x100;
	s30 =	simm.s32 $0x400;
	s31 =	simm.s32 $0x7  }
0x6: {  	s19 =	simm.s32 $0xA;
	s20 =	simm.s32 $0x5;
	s21 =	simm.s32 $0xB  }
0x7: {  	s15 =	simm.s32 $0x6;
	s22 =	simm.s32 $0xC;
	s17 =	simm.s32 $0x0  }
0x8: {  	s2 =	sand.u32 $0x1, s2;
	s5 =	sshll.u32 s14, $0x1;
	[smem:$0x7FF] =	sst s4  }
0x9: {  	s8 =	sadd.s32 $0xC00, s1;
	s9 =	sadd.s32 $0x1000, s1;
	s10 =	sadd.s32 $0x1400, s1  }
0xa: {  	s11 =	sadd.s32 $0x1800, s1;
	s12 =	sadd.s32 $0x1C00, s1;
	s26 =	sshll.u32 s14, $0x13  }
0xb: {  	s14 =	simm.s32 $0x18000;
	s5 =	sor.u32 s2, s5;
	s7 =	ssub.s32 $0x2, s2  }
0xc: {  	_ =	strace $0x80000047;
	s6 =	sshll.u32 s5, $0xB;
	s23 =	sshrl.u32 s7, $0x1  }
0xd: {  	s2 =	sshll.u32 s2, $0x12;
	s0 =	sadd.s32 s6, s0;
	s13 =	ssub.s32 s7, s23  }
0xe: {  	s24 =	sshll.u32 s5, $0x12;
	s0 =	sadd.s32 $0x400, s0;
	s28 =	smax.u32 s13, $0x1  }
.Ltmp0:
0xf: {  	[dreg:$0x4] =	wrdreg s0;
	s0 =	sadd.s32 s24, s3;
	(pc) =	sbr.rel .LBB2_1-.Ltmp0, $4  }
0x10: {  	s6 =	sadd.s32 $0x400, s1;
	[dreg:$0x7] =	wrdreg s28;
	s25 =	sadd.s32 $0x3E040, s0  }
0x11: {  	v0 =	vlaneseq.u32;
	s7 =	sadd.s32 $0x800, s1;
	s0 =	sadd.s32 $0x3E060, s0;
	[dreg:$0x5] =	wrdreg s25  }
0x12: {  	v1 =	vshrl.u32 v0, $0x1;
	s13 =	simm.s32 $0x4000;
	[dreg:$0x6] =	wrdreg s0;
	s0 =	sor.u32 s2, s26  }
0x13: {  	vm0 =	vmmov $0xffff;
	v0 =	vand.u32 $0x1, v0;
	v1 =	vmul.u32 $0x8, v1;
	s2 =	simm.s32 $0x2;
	[dreg:$0x8] =	wrdreg s0;
	s0 =	simm.s32 $0x8  }
.LBB2_4:
0x14: {  	s5 =	simm.s32 $0x1  }
0x15: {  	_ =	swait.ge [sflag:s5], $0x4000  }
0x16: {  	[sflag:s5] =	ssyncset.done $0x0  }
0x17: {  	s13 =	simm.s32 $0x4000;
	s25 =	rddreg [dreg:$0x5];
	[sflag:s5] =	ssyncadd.s32 $0xFFFFC000  }
0x18: {  	[hbm4b:s25+s29] =	stream.strided.scatter [tilespmem:s13], [sflag:$0x7], $0x4000, s30, s29, $0x38;
	[tilespmem:$0x1C000] =	vst v63  }
0x19: {  	_ =	swait.ge [sflag:s31], $0x4000  }
0x1a: {  	[sflag:s31] =	ssyncset.done $0x0  }
0x1b: {  	[sflag:s31] =	ssyncadd.s32 $0xFFFFC000  }
0x1c: {  	_ =	swait.ge [sflag:s2], $0x4000  }
0x1d: {  	[sflag:s2] =	ssyncset.done $0x0  }
0x1e: {  	s16 =	simm.s32 $0x8000;
	s26 =	rddreg [dreg:$0x6];
	[sflag:s2] =	ssyncadd.s32 $0xFFFFC000  }
0x1f: {  	[hbm4b:s26+s29] =	stream.strided.scatter [tilespmem:s16], [sflag:$0x8], $0x4000, s30, s29, $0x38;
	[tilespmem:$0x1C000] =	vst v63  }
0x20: {  	_ =	swait.ge [sflag:s0], $0x4000  }
0x21: {  	s17 =	rddreg [dreg:$0x9]  }
0x22: {  	s28 =	rddreg [dreg:$0x7];
	s17 =	sadd.s32 $0x1, s17  }
0x23: {  	p0 =	sne.s32 s17, s28  }
.Ltmp1:
0x24: {  	_ = 	snop;
	(pc) =	sbr.rel @!p0 .LBB2_5-.Ltmp1, $3  }
0x25: {  	_ =	sdelay $0x1  }
0x26: {  	[sflag:s0] =	ssyncset.done $0x0  }
0x27: {  	[sflag:s0] =	ssyncadd.s32 $0xFFFFC000  }
.LBB2_1:
0x28: {  	[dreg:$0x9] =	wrdreg s17  }
0x29: {  	s5 =	rddreg [dreg:$0x4];
	s17 =	simm.s32 $0xD  }
0x2a: {  	[tilespmem:s4], [sflag:$0xD] =	stream.linear.gather [hbm4b:s5+s4], $0x4000, $0x38;
	[tilespmem:$0x1C000] =	vst v63  }
0x2b: {  	_ =	swait.ge [sflag:s17], $0x4000  }
0x2c: {  	[sflag:s17] =	ssyncset.done $0x0  }
0x2d: {  	[sflag:s17] =	ssyncadd.s32 $0xFFFFC000  }
0x2e: {  	v2 =	vld.msk [tilespmem:$0x0], $0x3;
	_ =	sdelay $0x4  }
0x2f: {  	v3 =	vshll.u32 v2, $0x6  }
0x30: {  	v2 =	vand.u32 $0x7, v2;
	v3 =	vand.u32 $0xFFFFFE00, v3  }
0x31: {  	v2 =	vor.u32 v2, v3  }
0x32: {  	v2 =	vperm.xlane v2, v0;
	_ =	sdelay $0x1  }
0x33: {  	v2 =	vadd.s32 v1, v2;
	_ =	sdelay $0x4  }
0x34: {  	[tilespmem:s13], [sflag:$0x1] =	stream.indirect_vreg.gather [hbm4b:s1+s4], $0x80, v2, vm0, $0xb8;
	[tilespmem:$0x1C000] =	vst v63  }
0x35: {  	s18 =	simm.s32 $0x4800  }
0x36: {  	[tilespmem:s18], [sflag:$0x1] =	stream.indirect_vreg.gather [hbm4b:s6+s4], $0x80, v2, vm0, $0xb8;
	[tilespmem:$0x1C000] =	vst v63  }
0x37: {  	s23 =	simm.s32 $0x5000  }
0x38: {  	[tilespmem:s23], [sflag:$0x1] =	stream.indirect_vreg.gather [hbm4b:s7+s4], $0x80, v2, vm0, $0xb8;
	[tilespmem:$0x1C000] =	vst v63  }
0x39: {  	s24 =	simm.s32 $0x5800  }
0x3a: {  	[tilespmem:s24], [sflag:$0x1] =	stream.indirect_vreg.gather [hbm4b:s8+s4], $0x80, v2, vm0, $0xb8;
	[tilespmem:$0x1C000] =	vst v63  }
0x3b: {  	s25 =	simm.s32 $0x6000  }
0x3c: {  	[tilespmem:s25], [sflag:$0x1] =	stream.indirect_vreg.gather [hbm4b:s9+s4], $0x80, v2, vm0, $0xb8;
	[tilespmem:$0x1C000] =	vst v63  }
0x3d: {  	s26 =	simm.s32 $0x6800  }
0x3e: {  	[tilespmem:s26], [sflag:$0x1] =	stream.indirect_vreg.gather [hbm4b:s10+s4], $0x80, v2, vm0, $0xb8;
	[tilespmem:$0x1C000] =	vst v63  }
0x3f: {  	s28 =	simm.s32 $0x7000  }
0x40: {  	[tilespmem:s28], [sflag:$0x1] =	stream.indirect_vreg.gather [hbm4b:s11+s4], $0x80, v2, vm0, $0xb8;
	[tilespmem:$0x1C000] =	vst v63  }
0x41: {  	s17 =	simm.s32 $0x7800  }
0x42: {  	[tilespmem:s17], [sflag:$0x1] =	stream.indirect_vreg.gather [hbm4b:s12+s4], $0x80, v2, vm0, $0xb8;
	[tilespmem:$0x1C000] =	vst v63  }
0x43: {  	v2 =	vld.msk [tilespmem:$0x80], $0x3;
	_ =	sdelay $0x4  }
0x44: {  	v3 =	vshll.u32 v2, $0x6  }
0x45: {  	v2 =	vand.u32 $0x7, v2;
	v3 =	vand.u32 $0xFFFFFE00, v3  }
0x46: {  	v2 =	vor.u32 v2, v3  }
0x47: {  	v2 =	vperm.xlane v2, v0;
	_ =	sdelay $0x1  }
0x48: {  	v2 =	vadd.s32 v1, v2;
	_ =	sdelay $0x4  }
0x49: {  	[tilespmem:s16], [sflag:$0x2] =	stream.indirect_vreg.gather [hbm4b:s1+s4], $0x80, v2, vm0, $0xb8;
	[tilespmem:$0x1C000] =	vst v63  }
0x4a: {  	s18 =	simm.s32 $0x8800  }
0x4b: {  	[tilespmem:s18], [sflag:$0x2] =	stream.indirect_vreg.gather [hbm4b:s6+s4], $0x80, v2, vm0, $0xb8;
	[tilespmem:$0x1C000] =	vst v63  }
0x4c: {  	s23 =	simm.s32 $0x9000  }
0x4d: {  	[tilespmem:s23], [sflag:$0x2] =	stream.indirect_vreg.gather [hbm4b:s7+s4], $0x80, v2, vm0, $0xb8;
	[tilespmem:$0x1C000] =	vst v63  }
0x4e: {  	s24 =	simm.s32 $0x9800  }
0x4f: {  	[tilespmem:s24], [sflag:$0x2] =	stream.indirect_vreg.gather [hbm4b:s8+s4], $0x80, v2, vm0, $0xb8;
	[tilespmem:$0x1C000] =	vst v63  }
0x50: {  	s25 =	simm.s32 $0xA000  }
0x51: {  	[tilespmem:s25], [sflag:$0x2] =	stream.indirect_vreg.gather [hbm4b:s9+s4], $0x80, v2, vm0, $0xb8;
	[tilespmem:$0x1C000] =	vst v63  }
0x52: {  	s26 =	simm.s32 $0xA800  }
0x53: {  	[tilespmem:s26], [sflag:$0x2] =	stream.indirect_vreg.gather [hbm4b:s10+s4], $0x80, v2, vm0, $0xb8;
	[tilespmem:$0x1C000] =	vst v63  }
0x54: {  	s28 =	simm.s32 $0xB000  }
0x55: {  	[tilespmem:s28], [sflag:$0x2] =	stream.indirect_vreg.gather [hbm4b:s11+s4], $0x80, v2, vm0, $0xb8;
	[tilespmem:$0x1C000] =	vst v63  }
0x56: {  	s16 =	simm.s32 $0xB800  }
0x57: {  	[tilespmem:s16], [sflag:$0x2] =	stream.indirect_vreg.gather [hbm4b:s12+s4], $0x80, v2, vm0, $0xb8;
	[tilespmem:$0x1C000] =	vst v63  }
0x58: {  	v2 =	vld.msk [tilespmem:$0x100], $0x3;
	_ =	sdelay $0x4  }
0x59: {  	v3 =	vshll.u32 v2, $0x6  }
0x5a: {  	v2 =	vand.u32 $0x7, v2;
	v3 =	vand.u32 $0xFFFFFE00, v3  }
0x5b: {  	v2 =	vor.u32 v2, v3  }
0x5c: {  	v2 =	vperm.xlane v2, v0;
	_ =	sdelay $0x1  }
0x5d: {  	v2 =	vadd.s32 v1, v2;
	_ =	sdelay $0x3  }
0x5e: {  	s17 =	simm.s32 $0xC000  }
0x5f: {  	[tilespmem:s17], [sflag:$0x3] =	stream.indirect_vreg.gather [hbm4b:s1+s4], $0x80, v2, vm0, $0xb8;
	[tilespmem:$0x1C000] =	vst v63  }
0x60: {  	s18 =	simm.s32 $0xC800  }
0x61: {  	[tilespmem:s18], [sflag:$0x3] =	stream.indirect_vreg.gather [hbm4b:s6+s4], $0x80, v2, vm0, $0xb8;
	[tilespmem:$0x1C000] =	vst v63  }
0x62: {  	s23 =	simm.s32 $0xD000  }
0x63: {  	[tilespmem:s23], [sflag:$0x3] =	stream.indirect_vreg.gather [hbm4b:s7+s4], $0x80, v2, vm0, $0xb8;
	[tilespmem:$0x1C000] =	vst v63  }
0x64: {  	s24 =	simm.s32 $0xD800  }
0x65: {  	[tilespmem:s24], [sflag:$0x3] =	stream.indirect_vreg.gather [hbm4b:s8+s4], $0x80, v2, vm0, $0xb8;
	[tilespmem:$0x1C000] =	vst v63  }
0x66: {  	s25 =	simm.s32 $0xE000  }
0x67: {  	[tilespmem:s25], [sflag:$0x3] =	stream.indirect_vreg.gather [hbm4b:s9+s4], $0x80, v2, vm0, $0xb8;
	[tilespmem:$0x1C000] =	vst v63  }
0x68: {  	s26 =	simm.s32 $0xE800  }
0x69: {  	[tilespmem:s26], [sflag:$0x3] =	stream.indirect_vreg.gather [hbm4b:s10+s4], $0x80, v2, vm0, $0xb8;
	[tilespmem:$0x1C000] =	vst v63  }
0x6a: {  	s28 =	simm.s32 $0xF000  }
0x6b: {  	[tilespmem:s28], [sflag:$0x3] =	stream.indirect_vreg.gather [hbm4b:s11+s4], $0x80, v2, vm0, $0xb8;
	[tilespmem:$0x1C000] =	vst v63  }
0x6c: {  	s16 =	simm.s32 $0xF800  }
0x6d: {  	[tilespmem:s16], [sflag:$0x3] =	stream.indirect_vreg.gather [hbm4b:s12+s4], $0x80, v2, vm0, $0xb8;
	[tilespmem:$0x1C000] =	vst v63  }
0x6e: {  	v2 =	vld.msk [tilespmem:$0x180], $0x3;
	_ =	sdelay $0x4  }
0x6f: {  	v3 =	vshll.u32 v2, $0x6  }
0x70: {  	v2 =	vand.u32 $0x7, v2;
	v3 =	vand.u32 $0xFFFFFE00, v3  }
0x71: {  	v2 =	vor.u32 v2, v3  }
0x72: {  	v2 =	vperm.xlane v2, v0;
	_ =	sdelay $0x1  }
0x73: {  	v2 =	vadd.s32 v1, v2;
	_ =	sdelay $0x3  }
0x74: {  	s17 =	simm.s32 $0x10000  }
0x75: {  	[tilespmem:s17], [sflag:$0x4] =	stream.indirect_vreg.gather [hbm4b:s1+s4], $0x80, v2, vm0, $0xb8;
	[tilespmem:$0x1C000] =	vst v63  }
0x76: {  	s18 =	simm.s32 $0x10800  }
0x77: {  	[tilespmem:s18], [sflag:$0x4] =	stream.indirect_vreg.gather [hbm4b:s6+s4], $0x80, v2, vm0, $0xb8;
	[tilespmem:$0x1C000] =	vst v63  }
0x78: {  	s23 =	simm.s32 $0x11000  }
0x79: {  	[tilespmem:s23], [sflag:$0x4] =	stream.indirect_vreg.gather [hbm4b:s7+s4], $0x80, v2, vm0, $0xb8;
	[tilespmem:$0x1C000] =	vst v63  }
0x7a: {  	s24 =	simm.s32 $0x11800  }
0x7b: {  	[tilespmem:s24], [sflag:$0x4] =	stream.indirect_vreg.gather [hbm4b:s8+s4], $0x80, v2, vm0, $0xb8;
	[tilespmem:$0x1C000] =	vst v63  }
0x7c: {  	s25 =	simm.s32 $0x12000  }
0x7d: {  	[tilespmem:s25], [sflag:$0x4] =	stream.indirect_vreg.gather [hbm4b:s9+s4], $0x80, v2, vm0, $0xb8;
	[tilespmem:$0x1C000] =	vst v63  }
0x7e: {  	s26 =	simm.s32 $0x12800  }
0x7f: {  	[tilespmem:s26], [sflag:$0x4] =	stream.indirect_vreg.gather [hbm4b:s10+s4], $0x80, v2, vm0, $0xb8;
	[tilespmem:$0x1C000] =	vst v63  }
0x80: {  	s28 =	simm.s32 $0x13000  }
0x81: {  	[tilespmem:s28], [sflag:$0x4] =	stream.indirect_vreg.gather [hbm4b:s11+s4], $0x80, v2, vm0, $0xb8;
	[tilespmem:$0x1C000] =	vst v63  }
0x82: {  	s16 =	simm.s32 $0x13800  }
0x83: {  	[tilespmem:s16], [sflag:$0x4] =	stream.indirect_vreg.gather [hbm4b:s12+s4], $0x80, v2, vm0, $0xb8;
	[tilespmem:$0x1C000] =	vst v63  }
0x84: {  	v2 =	vld.msk [tilespmem:$0x200], $0x3;
	_ =	sdelay $0x4  }
0x85: {  	v3 =	vshll.u32 v2, $0x6  }
0x86: {  	v2 =	vand.u32 $0x7, v2;
	v3 =	vand.u32 $0xFFFFFE00, v3  }
0x87: {  	v2 =	vor.u32 v2, v3  }
0x88: {  	v2 =	vperm.xlane v2, v0;
	_ =	sdelay $0x1  }
0x89: {  	v2 =	vadd.s32 v1, v2;
	_ =	sdelay $0x3  }
0x8a: {  	s17 =	simm.s32 $0x14000  }
0x8b: {  	[tilespmem:s17], [sflag:$0x5] =	stream.indirect_vreg.gather [hbm4b:s1+s4], $0x80, v2, vm0, $0xb8;
	[tilespmem:$0x1C000] =	vst v63  }
0x8c: {  	s18 =	simm.s32 $0x14800  }
0x8d: {  	[tilespmem:s18], [sflag:$0x5] =	stream.indirect_vreg.gather [hbm4b:s6+s4], $0x80, v2, vm0, $0xb8;
	[tilespmem:$0x1C000] =	vst v63  }
0x8e: {  	s23 =	simm.s32 $0x15000  }
0x8f: {  	[tilespmem:s23], [sflag:$0x5] =	stream.indirect_vreg.gather [hbm4b:s7+s4], $0x80, v2, vm0, $0xb8;
	[tilespmem:$0x1C000] =	vst v63  }
0x90: {  	s24 =	simm.s32 $0x15800  }
0x91: {  	[tilespmem:s24], [sflag:$0x5] =	stream.indirect_vreg.gather [hbm4b:s8+s4], $0x80, v2, vm0, $0xb8;
	[tilespmem:$0x1C000] =	vst v63  }
0x92: {  	s25 =	simm.s32 $0x16000  }
0x93: {  	[tilespmem:s25], [sflag:$0x5] =	stream.indirect_vreg.gather [hbm4b:s9+s4], $0x80, v2, vm0, $0xb8;
	[tilespmem:$0x1C000] =	vst v63  }
0x94: {  	s26 =	simm.s32 $0x16800  }
0x95: {  	[tilespmem:s26], [sflag:$0x5] =	stream.indirect_vreg.gather [hbm4b:s10+s4], $0x80, v2, vm0, $0xb8;
	[tilespmem:$0x1C000] =	vst v63  }
0x96: {  	s28 =	simm.s32 $0x17000  }
0x97: {  	[tilespmem:s28], [sflag:$0x5] =	stream.indirect_vreg.gather [hbm4b:s11+s4], $0x80, v2, vm0, $0xb8;
	[tilespmem:$0x1C000] =	vst v63  }
0x98: {  	s16 =	simm.s32 $0x17800  }
0x99: {  	[tilespmem:s16], [sflag:$0x5] =	stream.indirect_vreg.gather [hbm4b:s12+s4], $0x80, v2, vm0, $0xb8;
	[tilespmem:$0x1C000] =	vst v63  }
0x9a: {  	v2 =	vld.msk [tilespmem:$0x280], $0x3;
	_ =	sdelay $0x4  }
0x9b: {  	v3 =	vshll.u32 v2, $0x6  }
0x9c: {  	v2 =	vand.u32 $0x7, v2;
	v3 =	vand.u32 $0xFFFFFE00, v3  }
0x9d: {  	v2 =	vor.u32 v2, v3  }
0x9e: {  	v2 =	vperm.xlane v2, v0;
	_ =	sdelay $0x1  }
0x9f: {  	v2 =	vadd.s32 v1, v2;
	_ =	sdelay $0x4  }
0xa0: {  	[tilespmem:s14], [sflag:$0x6] =	stream.indirect_vreg.gather [hbm4b:s1+s4], $0x80, v2, vm0, $0xb8;
	[tilespmem:$0x1C000] =	vst v63  }
0xa1: {  	s17 =	simm.s32 $0x18800  }
0xa2: {  	[tilespmem:s17], [sflag:$0x6] =	stream.indirect_vreg.gather [hbm4b:s6+s4], $0x80, v2, vm0, $0xb8;
	[tilespmem:$0x1C000] =	vst v63  }
0xa3: {  	s18 =	simm.s32 $0x19000  }
0xa4: {  	[tilespmem:s18], [sflag:$0x6] =	stream.indirect_vreg.gather [hbm4b:s7+s4], $0x80, v2, vm0, $0xb8;
	[tilespmem:$0x1C000] =	vst v63  }
0xa5: {  	s23 =	simm.s32 $0x19800  }
0xa6: {  	[tilespmem:s23], [sflag:$0x6] =	stream.indirect_vreg.gather [hbm4b:s8+s4], $0x80, v2, vm0, $0xb8;
	[tilespmem:$0x1C000] =	vst v63  }
0xa7: {  	s24 =	simm.s32 $0x1A000  }
0xa8: {  	[tilespmem:s24], [sflag:$0x6] =	stream.indirect_vreg.gather [hbm4b:s9+s4], $0x80, v2, vm0, $0xb8;
	[tilespmem:$0x1C000] =	vst v63  }
0xa9: {  	s25 =	simm.s32 $0x1A800;
	s26 =	simm.s32 $0x1B000  }
0xaa: {  	[tilespmem:s25], [sflag:$0x6] =	stream.indirect_vreg.gather [hbm4b:s10+s4], $0x80, v2, vm0, $0xb8;
	[tilespmem:$0x1C000] =	vst v63  }
0xab: {  	s28 =	simm.s32 $0x1B800;
	s16 =	simm.s32 $0x0;
	s14 =	simm.s32 $0x18000  }
0xac: {  	[tilespmem:s26], [sflag:$0x6] =	stream.indirect_vreg.gather [hbm4b:s11+s4], $0x80, v2, vm0, $0xb8;
	[tilespmem:$0x1C000] =	vst v63  }
0xad: {  	s23 =	simm.s32 $0xA0;
	s24 =	simm.s32 $0x580;
	s25 =	simm.s32 $0x0  }
0xae: {  	[tilespmem:s28], [sflag:$0x6] =	stream.indirect_vreg.gather [hbm4b:s12+s4], $0x80, v2, vm0, $0xb8;
	[tilespmem:$0x1C000] =	vst v63  }
.LBB2_2:
0xaf: {  	s28 =	simm.s32 $0x1  }
0xb0: {  	_ =	swait.ge [sflag:s28], $0x4000  }
0xb1: {  	s5 =	rddreg [dreg:$0x8]  }
0xb2: {  	s17 =	sand.u32 $0x40, s16;
	s18 =	sadd.s32 s25, s5  }
0xb3: {  	s26 =	sadd.s32 s3, s17;
	[sflag:s28] =	ssyncset.done $0x0;
	s5 =	sand.u32 $0xFFFE000, s18  }
0xb4: {  	[sflag:s28] =	ssyncadd.s32 $0xFFFFC000;
	s5 =	sadd.s32 s5, s26  }
0xb5: {  	[hbm4b:s5+s29] =	stream.strided.scatter [tilespmem:s13], [sflag:$0x7], $0x4000, s30, s29, $0x38;
	[tilespmem:$0x1C000] =	vst v63  }
0xb6: {  	_ =	swait.ge [sflag:s31], $0x4000  }
0xb7: {  	[sflag:s31] =	ssyncset.done $0x0  }
0xb8: {  	[sflag:s31] =	ssyncadd.s32 $0xFFFFC000  }
0xb9: {  	v2 =	vld.msk [tilespmem:s24+$0xFFFFFD80], $0x3;
	_ =	sdelay $0x4  }
0xba: {  	v3 =	vshll.u32 v2, $0x6  }
0xbb: {  	v2 =	vand.u32 $0x7, v2;
	v3 =	vand.u32 $0xFFFFFE00, v3  }
0xbc: {  	v2 =	vor.u32 v2, v3  }
0xbd: {  	v2 =	vperm.xlane v2, v0;
	_ =	sdelay $0x1  }
0xbe: {  	v2 =	vadd.s32 v1, v2;
	_ =	sdelay $0x4  }
0xbf: {  	[tilespmem:s13], [sflag:$0x1] =	stream.indirect_vreg.gather [hbm4b:s1+s4], $0x80, v2, vm0, $0xb8;
	[tilespmem:$0x1C000] =	vst v63  }
0xc0: {  	s17 =	simm.s32 $0x4800  }
0xc1: {  	[tilespmem:s17], [sflag:$0x1] =	stream.indirect_vreg.gather [hbm4b:s6+s4], $0x80, v2, vm0, $0xb8;
	[tilespmem:$0x1C000] =	vst v63  }
0xc2: {  	s28 =	simm.s32 $0x5000  }
0xc3: {  	[tilespmem:s28], [sflag:$0x1] =	stream.indirect_vreg.gather [hbm4b:s7+s4], $0x80, v2, vm0, $0xb8;
	[tilespmem:$0x1C000] =	vst v63  }
0xc4: {  	s17 =	simm.s32 $0x5800  }
0xc5: {  	[tilespmem:s17], [sflag:$0x1] =	stream.indirect_vreg.gather [hbm4b:s8+s4], $0x80, v2, vm0, $0xb8;
	[tilespmem:$0x1C000] =	vst v63  }
0xc6: {  	s28 =	simm.s32 $0x6000  }
0xc7: {  	[tilespmem:s28], [sflag:$0x1] =	stream.indirect_vreg.gather [hbm4b:s9+s4], $0x80, v2, vm0, $0xb8;
	[tilespmem:$0x1C000] =	vst v63  }
0xc8: {  	s17 =	simm.s32 $0x6800  }
0xc9: {  	[tilespmem:s17], [sflag:$0x1] =	stream.indirect_vreg.gather [hbm4b:s10+s4], $0x80, v2, vm0, $0xb8;
	[tilespmem:$0x1C000] =	vst v63  }
0xca: {  	s28 =	simm.s32 $0x7000  }
0xcb: {  	[tilespmem:s28], [sflag:$0x1] =	stream.indirect_vreg.gather [hbm4b:s11+s4], $0x80, v2, vm0, $0xb8;
	[tilespmem:$0x1C000] =	vst v63  }
0xcc: {  	s17 =	simm.s32 $0x7800  }
0xcd: {  	[tilespmem:s17], [sflag:$0x1] =	stream.indirect_vreg.gather [hbm4b:s12+s4], $0x80, v2, vm0, $0xb8;
	[tilespmem:$0x1C000] =	vst v63  }
0xce: {  	_ =	swait.ge [sflag:s2], $0x4000  }
0xcf: {  	[sflag:s2] =	ssyncset.done $0x0  }
0xd0: {  	s5 =	sadd.s32 $0x20, s5;
	s28 =	simm.s32 $0x8000;
	[sflag:s2] =	ssyncadd.s32 $0xFFFFC000  }
0xd1: {  	[hbm4b:s5+s29] =	stream.strided.scatter [tilespmem:s28], [sflag:$0x8], $0x4000, s30, s29, $0x38;
	[tilespmem:$0x1C000] =	vst v63  }
0xd2: {  	_ =	swait.ge [sflag:s0], $0x4000  }
0xd3: {  	[sflag:s0] =	ssyncset.done $0x0  }
0xd4: {  	[sflag:s0] =	ssyncadd.s32 $0xFFFFC000  }
0xd5: {  	v2 =	vld.msk [tilespmem:s24+$0xFFFFFE00], $0x3;
	_ =	sdelay $0x4  }
0xd6: {  	v3 =	vshll.u32 v2, $0x6  }
0xd7: {  	v2 =	vand.u32 $0x7, v2;
	v3 =	vand.u32 $0xFFFFFE00, v3  }
0xd8: {  	v2 =	vor.u32 v2, v3  }
0xd9: {  	v2 =	vperm.xlane v2, v0;
	_ =	sdelay $0x1  }
0xda: {  	v2 =	vadd.s32 v1, v2;
	_ =	sdelay $0x4  }
0xdb: {  	[tilespmem:s28], [sflag:$0x2] =	stream.indirect_vreg.gather [hbm4b:s1+s4], $0x80, v2, vm0, $0xb8;
	[tilespmem:$0x1C000] =	vst v63  }
0xdc: {  	s13 =	simm.s32 $0x8800  }
0xdd: {  	[tilespmem:s13], [sflag:$0x2] =	stream.indirect_vreg.gather [hbm4b:s6+s4], $0x80, v2, vm0, $0xb8;
	[tilespmem:$0x1C000] =	vst v63  }
0xde: {  	s17 =	simm.s32 $0x9000  }
0xdf: {  	[tilespmem:s17], [sflag:$0x2] =	stream.indirect_vreg.gather [hbm4b:s7+s4], $0x80, v2, vm0, $0xb8;
	[tilespmem:$0x1C000] =	vst v63  }
0xe0: {  	s28 =	simm.s32 $0x9800  }
0xe1: {  	[tilespmem:s28], [sflag:$0x2] =	stream.indirect_vreg.gather [hbm4b:s8+s4], $0x80, v2, vm0, $0xb8;
	[tilespmem:$0x1C000] =	vst v63  }
0xe2: {  	s13 =	simm.s32 $0xA000  }
0xe3: {  	[tilespmem:s13], [sflag:$0x2] =	stream.indirect_vreg.gather [hbm4b:s9+s4], $0x80, v2, vm0, $0xb8;
	[tilespmem:$0x1C000] =	vst v63  }
0xe4: {  	s17 =	simm.s32 $0xA800  }
0xe5: {  	[tilespmem:s17], [sflag:$0x2] =	stream.indirect_vreg.gather [hbm4b:s10+s4], $0x80, v2, vm0, $0xb8;
	[tilespmem:$0x1C000] =	vst v63  }
0xe6: {  	s28 =	simm.s32 $0xB000  }
0xe7: {  	[tilespmem:s28], [sflag:$0x2] =	stream.indirect_vreg.gather [hbm4b:s11+s4], $0x80, v2, vm0, $0xb8;
	[tilespmem:$0x1C000] =	vst v63  }
0xe8: {  	s13 =	simm.s32 $0xB800;
	s17 =	sadd.s32 $0xFFFFFFA0, s23  }
0xe9: {  	[tilespmem:s13], [sflag:$0x2] =	stream.indirect_vreg.gather [hbm4b:s12+s4], $0x80, v2, vm0, $0xb8;
	[tilespmem:$0x1C000] =	vst v63  }
0xea: {  	s5 =	sand.u32 $0x40, s17;
	s13 =	simm.s32 $0x3  }
0xeb: {  	s28 =	sadd.s32 $0x1000, s18;
	s5 =	sadd.s32 s3, s5;
	_ =	swait.ge [sflag:s13], $0x4000  }
0xec: {  	s17 =	sand.u32 $0xFFFE000, s28;
	s28 =	simm.s32 $0xC000;
	[sflag:s13] =	ssyncset.done $0x0  }
0xed: {  	s5 =	sadd.s32 s17, s5;
	s17 =	simm.s32 $0x9;
	[sflag:s13] =	ssyncadd.s32 $0xFFFFC000  }
0xee: {  	[hbm4b:s5+s29] =	stream.strided.scatter [tilespmem:s28], [sflag:$0x9], $0x4000, s30, s29, $0x38;
	[tilespmem:$0x1C000] =	vst v63  }
0xef: {  	_ =	swait.ge [sflag:s17], $0x4000  }
0xf0: {  	[sflag:s17] =	ssyncset.done $0x0  }
0xf1: {  	p0 =	seq.s32 s25, $0x3C000;
	[sflag:s17] =	ssyncadd.s32 $0xFFFFC000  }
0xf2: {  	v2 =	vld.msk @!p0 [tilespmem:s24+$0xFFFFFE80], $0x3;
	_ =	sdelay $0x4  }
0xf3: {  	v3 =	vshll.u32 @!p0 v2, $0x6  }
0xf4: {  	v4 =	vlaneseq.u32 @!p0;
	v2 =	vand.u32 @!p0 $0x7, v2;
	v3 =	vand.u32 @!p0 $0xFFFFFE00, v3  }
0xf5: {  	v2 =	vor.u32 @!p0 v2, v3;
	v3 =	vand.u32 @!p0 $0x1, v4;
	v4 =	vshrl.u32 @!p0 v4, $0x1  }
0xf6: {  	v2 =	vperm.xlane @!p0 v2, v3;
	v4 =	vmul.u32 @!p0 $0x8, v4;
	_ =	sdelay $0x1  }
0xf7: {  	v2 =	vadd.s32 @!p0 v4, v2;
	_ =	sdelay $0x3  }
0xf8: {  	vm1 =	vmmov @!p0 $0xffff;
	s5 =	simm.s32 @!p0 $0xC000;
	s17 =	simm.s32 @!p0 $0x0  }
0xf9: {  	[tilespmem:s5], [sflag:$0x3] =	stream.indirect_vreg.gather @!p0 [hbm4b:s1+s17], $0x80, v2, vm1, $0xb8;
	[tilespmem:$0x1C000] =	vst v63  }
0xfa: {  	s5 =	simm.s32 @!p0 $0xC800  }
0xfb: {  	[tilespmem:s5], [sflag:$0x3] =	stream.indirect_vreg.gather @!p0 [hbm4b:s6+s17], $0x80, v2, vm1, $0xb8;
	[tilespmem:$0x1C000] =	vst v63  }
0xfc: {  	s5 =	simm.s32 @!p0 $0xD000  }
0xfd: {  	[tilespmem:s5], [sflag:$0x3] =	stream.indirect_vreg.gather @!p0 [hbm4b:s7+s17], $0x80, v2, vm1, $0xb8;
	[tilespmem:$0x1C000] =	vst v63  }
0xfe: {  	s5 =	simm.s32 @!p0 $0xD800  }
0xff: {  	[tilespmem:s5], [sflag:$0x3] =	stream.indirect_vreg.gather @!p0 [hbm4b:s8+s17], $0x80, v2, vm1, $0xb8;
	[tilespmem:$0x1C000] =	vst v63  }
0x100: {  	s5 =	simm.s32 @!p0 $0xE000  }
0x101: {  	[tilespmem:s5], [sflag:$0x3] =	stream.indirect_vreg.gather @!p0 [hbm4b:s9+s17], $0x80, v2, vm1, $0xb8;
	[tilespmem:$0x1C000] =	vst v63  }
0x102: {  	s5 =	simm.s32 @!p0 $0xE800  }
0x103: {  	[tilespmem:s5], [sflag:$0x3] =	stream.indirect_vreg.gather @!p0 [hbm4b:s10+s17], $0x80, v2, vm1, $0xb8;
	[tilespmem:$0x1C000] =	vst v63  }
0x104: {  	s5 =	simm.s32 @!p0 $0xF000  }
0x105: {  	[tilespmem:s5], [sflag:$0x3] =	stream.indirect_vreg.gather @!p0 [hbm4b:s11+s17], $0x80, v2, vm1, $0xb8;
	[tilespmem:$0x1C000] =	vst v63  }
0x106: {  	s5 =	simm.s32 @!p0 $0xF800  }
0x107: {  	[tilespmem:s5], [sflag:$0x3] =	stream.indirect_vreg.gather @!p0 [hbm4b:s12+s17], $0x80, v2, vm1, $0xb8;
	[tilespmem:$0x1C000] =	vst v63  }
0x108: {  	s28 =	simm.s32 $0x4;
	s5 =	sadd.s32 $0xFFFFFFC0, s23  }
0x109: {  	s13 =	sadd.s32 $0x1800, s18;
	_ =	swait.ge [sflag:s28], $0x4000;
	s5 =	sand.u32 $0x60, s5  }
0x10a: {  	s13 =	sand.u32 $0xFFFE000, s13;
	[sflag:s28] =	ssyncset.done $0x0;
	s5 =	sadd.s32 s3, s5  }
0x10b: {  	s5 =	sadd.s32 s13, s5;
	[sflag:s28] =	ssyncadd.s32 $0xFFFFC000;
	s28 =	simm.s32 $0x10000  }
0x10c: {  	[hbm4b:s5+s29] =	stream.strided.scatter [tilespmem:s28], [sflag:$0xA], $0x4000, s30, s29, $0x38;
	[tilespmem:$0x1C000] =	vst v63  }
0x10d: {  	_ =	swait.ge [sflag:s19], $0x4000  }
0x10e: {  	[sflag:s19] =	ssyncset.done $0x0  }
0x10f: {  	[sflag:s19] =	ssyncadd.s32 $0xFFFFC000  }
0x110: {  	v2 =	vld.msk @!p0 [tilespmem:s24+$0xFFFFFF00], $0x3;
	_ =	sdelay $0x4  }
0x111: {  	v5 =	vshll.u32 @!p0 v2, $0x6  }
0x112: {  	v2 =	vand.u32 @!p0 $0x7, v2;
	v5 =	vand.u32 @!p0 $0xFFFFFE00, v5  }
0x113: {  	v2 =	vor.u32 @!p0 v2, v5  }
0x114: {  	v2 =	vperm.xlane @!p0 v2, v3;
	_ =	sdelay $0x1  }
0x115: {  	v2 =	vadd.s32 @!p0 v4, v2;
	_ =	sdelay $0x3  }
0x116: {  	s5 =	simm.s32 @!p0 $0x10000  }
0x117: {  	[tilespmem:s5], [sflag:$0x4] =	stream.indirect_vreg.gather @!p0 [hbm4b:s1+s17], $0x80, v2, vm1, $0xb8;
	[tilespmem:$0x1C000] =	vst v63  }
0x118: {  	s5 =	simm.s32 @!p0 $0x10800  }
0x119: {  	[tilespmem:s5], [sflag:$0x4] =	stream.indirect_vreg.gather @!p0 [hbm4b:s6+s17], $0x80, v2, vm1, $0xb8;
	[tilespmem:$0x1C000] =	vst v63  }
0x11a: {  	s5 =	simm.s32 @!p0 $0x11000  }
0x11b: {  	[tilespmem:s5], [sflag:$0x4] =	stream.indirect_vreg.gather @!p0 [hbm4b:s7+s17], $0x80, v2, vm1, $0xb8;
	[tilespmem:$0x1C000] =	vst v63  }
0x11c: {  	s5 =	simm.s32 @!p0 $0x11800  }
0x11d: {  	[tilespmem:s5], [sflag:$0x4] =	stream.indirect_vreg.gather @!p0 [hbm4b:s8+s17], $0x80, v2, vm1, $0xb8;
	[tilespmem:$0x1C000] =	vst v63  }
0x11e: {  	s5 =	simm.s32 @!p0 $0x12000  }
0x11f: {  	[tilespmem:s5], [sflag:$0x4] =	stream.indirect_vreg.gather @!p0 [hbm4b:s9+s17], $0x80, v2, vm1, $0xb8;
	[tilespmem:$0x1C000] =	vst v63  }
0x120: {  	s5 =	simm.s32 @!p0 $0x12800  }
0x121: {  	[tilespmem:s5], [sflag:$0x4] =	stream.indirect_vreg.gather @!p0 [hbm4b:s10+s17], $0x80, v2, vm1, $0xb8;
	[tilespmem:$0x1C000] =	vst v63  }
0x122: {  	s5 =	simm.s32 @!p0 $0x13000  }
0x123: {  	[tilespmem:s5], [sflag:$0x4] =	stream.indirect_vreg.gather @!p0 [hbm4b:s11+s17], $0x80, v2, vm1, $0xb8;
	[tilespmem:$0x1C000] =	vst v63  }
0x124: {  	s5 =	simm.s32 @!p0 $0x13800  }
0x125: {  	[tilespmem:s5], [sflag:$0x4] =	stream.indirect_vreg.gather @!p0 [hbm4b:s12+s17], $0x80, v2, vm1, $0xb8;
	[tilespmem:$0x1C000] =	vst v63  }
0x126: {  	s13 =	sadd.s32 $0x2000, s18;
	_ =	swait.ge [sflag:s20], $0x4000  }
0x127: {  	s5 =	sand.u32 $0xFFFE000, s13;
	[sflag:s20] =	ssyncset.done $0x0  }
0x128: {  	s28 =	simm.s32 $0x14000;
	s5 =	sadd.s32 s5, s26;
	[sflag:s20] =	ssyncadd.s32 $0xFFFFC000  }
0x129: {  	[hbm4b:s5+s29] =	stream.strided.scatter [tilespmem:s28], [sflag:$0xB], $0x4000, s30, s29, $0x38;
	[tilespmem:$0x1C000] =	vst v63  }
0x12a: {  	_ =	swait.ge [sflag:s21], $0x4000  }
0x12b: {  	[sflag:s21] =	ssyncset.done $0x0  }
0x12c: {  	[sflag:s21] =	ssyncadd.s32 $0xFFFFC000  }
0x12d: {  	v2 =	vld.msk @!p0 [tilespmem:s24+$0xFFFFFF80], $0x3;
	_ =	sdelay $0x4  }
0x12e: {  	v5 =	vshll.u32 @!p0 v2, $0x6  }
0x12f: {  	v2 =	vand.u32 @!p0 $0x7, v2;
	v5 =	vand.u32 @!p0 $0xFFFFFE00, v5  }
0x130: {  	v2 =	vor.u32 @!p0 v2, v5  }
0x131: {  	v2 =	vperm.xlane @!p0 v2, v3;
	_ =	sdelay $0x1  }
0x132: {  	v2 =	vadd.s32 @!p0 v4, v2;
	_ =	sdelay $0x3  }
0x133: {  	s5 =	simm.s32 @!p0 $0x14000  }
0x134: {  	[tilespmem:s5], [sflag:$0x5] =	stream.indirect_vreg.gather @!p0 [hbm4b:s1+s17], $0x80, v2, vm1, $0xb8;
	[tilespmem:$0x1C000] =	vst v63  }
0x135: {  	s5 =	simm.s32 @!p0 $0x14800  }
0x136: {  	[tilespmem:s5], [sflag:$0x5] =	stream.indirect_vreg.gather @!p0 [hbm4b:s6+s17], $0x80, v2, vm1, $0xb8;
	[tilespmem:$0x1C000] =	vst v63  }
0x137: {  	s5 =	simm.s32 @!p0 $0x15000  }
0x138: {  	[tilespmem:s5], [sflag:$0x5] =	stream.indirect_vreg.gather @!p0 [hbm4b:s7+s17], $0x80, v2, vm1, $0xb8;
	[tilespmem:$0x1C000] =	vst v63  }
0x139: {  	s5 =	simm.s32 @!p0 $0x15800  }
0x13a: {  	[tilespmem:s5], [sflag:$0x5] =	stream.indirect_vreg.gather @!p0 [hbm4b:s8+s17], $0x80, v2, vm1, $0xb8;
	[tilespmem:$0x1C000] =	vst v63  }
0x13b: {  	s5 =	simm.s32 @!p0 $0x16000  }
0x13c: {  	[tilespmem:s5], [sflag:$0x5] =	stream.indirect_vreg.gather @!p0 [hbm4b:s9+s17], $0x80, v2, vm1, $0xb8;
	[tilespmem:$0x1C000] =	vst v63  }
0x13d: {  	s5 =	simm.s32 @!p0 $0x16800  }
0x13e: {  	[tilespmem:s5], [sflag:$0x5] =	stream.indirect_vreg.gather @!p0 [hbm4b:s10+s17], $0x80, v2, vm1, $0xb8;
	[tilespmem:$0x1C000] =	vst v63  }
0x13f: {  	s5 =	simm.s32 @!p0 $0x17000  }
0x140: {  	[tilespmem:s5], [sflag:$0x5] =	stream.indirect_vreg.gather @!p0 [hbm4b:s11+s17], $0x80, v2, vm1, $0xb8;
	[tilespmem:$0x1C000] =	vst v63  }
0x141: {  	s5 =	simm.s32 @!p0 $0x17800  }
0x142: {  	[tilespmem:s5], [sflag:$0x5] =	stream.indirect_vreg.gather @!p0 [hbm4b:s12+s17], $0x80, v2, vm1, $0xb8;
	[tilespmem:$0x1C000] =	vst v63  }
0x143: {  	s26 =	sadd.s32 $0x2800, s18;
	s28 =	sand.u32 $0x60, s23;
	_ =	swait.ge [sflag:s15], $0x4000  }
0x144: {  	s13 =	sadd.s32 s3, s28;
	s5 =	sand.u32 $0xFFFE000, s26;
	[sflag:s15] =	ssyncset.done $0x0  }
.Ltmp2:
0x145: {  	s5 =	sadd.s32 s5, s13;
	[sflag:s15] =	ssyncadd.s32 $0xFFFFC000;
	(pc) =	sbr.rel @p0 .LBB2_4-.Ltmp2, $4  }
0x146: {  	[hbm4b:s5+s29] =	stream.strided.scatter [tilespmem:s14], [sflag:$0xC], $0x4000, s30, s29, $0x38;
	[tilespmem:$0x1C000] =	vst v63  }
0x147: {  	_ =	swait.ge [sflag:s22], $0x4000  }
0x148: {  	[sflag:s22] =	ssyncset.done $0x0  }
0x149: {  	s14 =	simm.s32 $0x18000;
	[sflag:s22] =	ssyncadd.s32 $0xFFFFC000  }
0x14a: {  	v2 =	vld.msk [tilespmem:s24+$0x0], $0x3;
	_ =	sdelay $0x4  }
0x14b: {  	v3 =	vshll.u32 v2, $0x6  }
0x14c: {  	v2 =	vand.u32 $0x7, v2;
	v3 =	vand.u32 $0xFFFFFE00, v3  }
0x14d: {  	v2 =	vor.u32 v2, v3  }
0x14e: {  	v2 =	vperm.xlane v2, v0;
	_ =	sdelay $0x1  }
0x14f: {  	v2 =	vadd.s32 v1, v2;
	_ =	sdelay $0x4  }
0x150: {  	[tilespmem:s14], [sflag:$0x6] =	stream.indirect_vreg.gather [hbm4b:s1+s4], $0x80, v2, vm0, $0xb8;
	[tilespmem:$0x1C000] =	vst v63  }
0x151: {  	s5 =	simm.s32 $0x18800  }
0x152: {  	[tilespmem:s5], [sflag:$0x6] =	stream.indirect_vreg.gather [hbm4b:s6+s4], $0x80, v2, vm0, $0xb8;
	[tilespmem:$0x1C000] =	vst v63  }
0x153: {  	s13 =	simm.s32 $0x19000  }
0x154: {  	[tilespmem:s13], [sflag:$0x6] =	stream.indirect_vreg.gather [hbm4b:s7+s4], $0x80, v2, vm0, $0xb8;
	[tilespmem:$0x1C000] =	vst v63  }
0x155: {  	s14 =	simm.s32 $0x19800  }
0x156: {  	[tilespmem:s14], [sflag:$0x6] =	stream.indirect_vreg.gather [hbm4b:s8+s4], $0x80, v2, vm0, $0xb8;
	[tilespmem:$0x1C000] =	vst v63  }
0x157: {  	s17 =	simm.s32 $0x1A000  }
0x158: {  	[tilespmem:s17], [sflag:$0x6] =	stream.indirect_vreg.gather [hbm4b:s9+s4], $0x80, v2, vm0, $0xb8;
	[tilespmem:$0x1C000] =	vst v63  }
0x159: {  	s18 =	simm.s32 $0x1A800  }
0x15a: {  	[tilespmem:s18], [sflag:$0x6] =	stream.indirect_vreg.gather [hbm4b:s10+s4], $0x80, v2, vm0, $0xb8;
	[tilespmem:$0x1C000] =	vst v63  }
.Ltmp3:
0x15b: {  	s26 =	simm.s32 $0x1B000;
	s28 =	simm.s32 $0x1B800;
	(pc) =	sbr.rel .LBB2_2-.Ltmp3, $4  }
0x15c: {  	s16 =	sadd.s32 $0x40, s16;
	s25 =	sadd.s32 $0x3000, s25;
	s23 =	sadd.s32 $0xC0, s23  }
0x15d: {  	[tilespmem:s26], [sflag:$0x6] =	stream.indirect_vreg.gather [hbm4b:s11+s4], $0x80, v2, vm0, $0xb8;
	[tilespmem:$0x1C000] =	vst v63  }
0x15e: {  	s24 =	sadd.s32 $0x300, s24;
	s13 =	simm.s32 $0x4000;
	s14 =	simm.s32 $0x18000  }
0x15f: {  	[tilespmem:s28], [sflag:$0x6] =	stream.indirect_vreg.gather [hbm4b:s12+s4], $0x80, v2, vm0, $0xb8;
	[tilespmem:$0x1C000] =	vst v63  }
.LBB2_5:
0x160: {  	_ =	sfence.sel $0x180000  }
0x161: {  	[bflag:$0x0] =	sbarrier.arrive $0xFFFF  }
0x162: {  	_ =	strace $0x90000047  }
0x163: {  	s0 =	stileid.u32;
	[bflag:$0x2] =	sbarrier.arrive $0xFFFF  }
0x164: {  	p0 =	sne.s32 s0, $0x0;
	s0 =	rddreg [dreg:$0x3]  }
0x165: {  	s0 =	sadd.s32 @!p0 $0x100000, s0  }
0x166: {  	[sflag:s0] =	ssyncadd.tile.s32 @!p0 $0x1;
	_ =	shalt  }
.Lfunc_end2:
_tile_overlayer_lowered:
.L_overlay_start_2:
0x167: {  	(tag) =	ssettag $0x2  }
0x168: {  	s0 =	rddreg [dreg:$0x0];
	s2 =	stileid.u32  }
0x169: {  	s1 =	rddreg [dreg:$0x1];
	p0 =	sne.s32 s2, $0x0  }
0x16a: {  	s3 =	rddreg [dreg:$0x2];
	[bflag:$0x3] =	sbarrier.arrive $0xFFFF;
	s2 =	simm.s32 @!p0 $0x1C0D  }
0x16b: {  	[timem:s3], [sflag:s2] =	dma.local @!p0 [hbm:s0], s1  }
0x16c: {  	s0 =	simm.s32 @!p0 $0xD  }
0x16d: {  	_ =	swait.ge @!p0 [sflag:s0], s1  }
0x16e: {  	s1 =	ssub.s32 @!p0 $0x0, s1;
	[sflag:s0] =	ssyncset.done @!p0 $0x0  }
0x16f: {  	[sflag:s0] =	ssyncadd.s32 @!p0 s1  }
0x170: {  	[bflag:$0x3] =	sbarrier.arrive $0xFFFF  }
0x171: {  	_ =	shalt  }

</sc_bundles>
